<compile_context>
chip_gen: v7x
topology: tpu7x:2x2x1
jax: 0.10.2.dev20260603
libtpu: 0.0.44.dev20260713+nightly
codegen_flags: <defaults>
</compile_context>

<pallas_src>
import functools

import jax
import jax.numpy as jnp
from jax import lax
from jax.experimental import pallas as pl
from jax.experimental.pallas import tpu as pltpu
from jax.experimental.pallas import tpu_sc as plsc

N = 10000
E = 320000
D = 128
H = 32
C = 2
G = 64

NC = 2
NS = 16
NW = NC * NS
EP = E // NW
K = 80
NCHUNK = EP // K
SLAB = 624
REM = N - NS * SLAB


def _sc_segment_sum(hp, src, dst, zeros):
  mesh = plsc.VectorSubcoreMesh(core_axis_name="c", subcore_axis_name="s")

  @functools.partial(
      pl.kernel,
      out_type=jax.ShapeDtypeStruct((NC * N, H), jnp.float32),
      mesh=mesh,
      scratch_types=[
          pltpu.VMEM((K,), jnp.int32),
          pltpu.VMEM((K,), jnp.int32),
          pltpu.VMEM((K, H), jnp.float32),
          pltpu.VMEM_SHARED((N, H), jnp.float32),
          pltpu.SemaphoreType.DMA,
      ],
      compiler_params=pltpu.CompilerParams(use_tc_tiling_on_sc=False),
  )
  def seg_kernel(hp_hbm, src_hbm, dst_hbm, z_hbm, out_hbm,
                 src_v, dst_v, rows_v, acc_sh, sem):
    cid = lax.axis_index("c")
    sid = lax.axis_index("s")

    pltpu.sync_copy(z_hbm.at[pl.ds(0, SLAB)],
                    acc_sh.at[pl.ds(sid * SLAB, SLAB)])

    @pl.when(sid == NS - 1)
    def _():
      pltpu.sync_copy(z_hbm.at[pl.ds(0, REM)],
                      acc_sh.at[pl.ds(NS * SLAB, REM)])

    plsc.subcore_barrier()

    base = (cid * NS + sid) * EP

    def chunk_body(i, carry):
      off = base + i * K
      pltpu.sync_copy(src_hbm.at[pl.ds(off, K)], src_v)
      pltpu.sync_copy(dst_hbm.at[pl.ds(off, K)], dst_v)
      pltpu.async_copy(hp_hbm.at[src_v], rows_v, sem).wait()
      pltpu.sync_copy(rows_v, acc_sh.at[dst_v], add=True)
      return carry

    lax.fori_loop(0, NCHUNK, chunk_body, 0)
    plsc.subcore_barrier()

    pltpu.sync_copy(acc_sh.at[pl.ds(sid * SLAB, SLAB)],
                    out_hbm.at[pl.ds(cid * N + sid * SLAB, SLAB)])

    @pl.when(sid == NS - 1)
    def _():
      pltpu.sync_copy(acc_sh.at[pl.ds(NS * SLAB, REM)],
                      out_hbm.at[pl.ds(cid * N + NS * SLAB, REM)])

  return seg_kernel(hp, src, dst, zeros)


def _elu(x):
  return jnp.where(x > 0, x, jnp.exp(jnp.minimum(x, 0.0)) - 1.0)


_R1 = 2000


def _tc_pre_body(x_ref, wr_ref, wo_ref, b_ref, hp_ref, root_ref):
  xb = x_ref[...]
  hp_ref[...] = jnp.dot(xb, wr_ref[...], preferred_element_type=jnp.float32)
  root_ref[...] = (
      jnp.dot(xb, wo_ref[...], preferred_element_type=jnp.float32) + b_ref[...])


def _tc_pre(x, Wr, Wo, b):
  grid = (N // _R1,)
  return pl.pallas_call(
      _tc_pre_body,
      grid=grid,
      in_specs=[
          pl.BlockSpec((_R1, D), lambda i: (i, 0)),
          pl.BlockSpec((D, H), lambda i: (0, 0)),
          pl.BlockSpec((D, H), lambda i: (0, 0)),
          pl.BlockSpec((1, H), lambda i: (0, 0)),
      ],
      out_specs=[
          pl.BlockSpec((_R1, H), lambda i: (i, 0)),
          pl.BlockSpec((_R1, H), lambda i: (i, 0)),
      ],
      out_shape=[
          jax.ShapeDtypeStruct((N, H), jnp.float32),
          jax.ShapeDtypeStruct((N, H), jnp.float32),
      ],
  )(x, Wr, Wo, b)


def _tc_mid_body(p_ref, rprev_ref, wr_ref, wo_ref, b_ref, hp_ref, root_ref):
  p = p_ref[...]
  h = _elu(p[0] + p[1] + rprev_ref[...])
  hp_ref[...] = jnp.dot(h, wr_ref[...], preferred_element_type=jnp.float32)
  root_ref[...] = (
      jnp.dot(h, wo_ref[...], preferred_element_type=jnp.float32) + b_ref[...])


def _tc_mid(partials, root_prev, Wr, Wo, b):
  p3 = partials.reshape(NC, N, H)
  grid = (N // _R1,)
  return pl.pallas_call(
      _tc_mid_body,
      grid=grid,
      in_specs=[
          pl.BlockSpec((NC, _R1, H), lambda i: (0, i, 0)),
          pl.BlockSpec((_R1, H), lambda i: (i, 0)),
          pl.BlockSpec((H, H), lambda i: (0, 0)),
          pl.BlockSpec((H, H), lambda i: (0, 0)),
          pl.BlockSpec((1, H), lambda i: (0, 0)),
      ],
      out_specs=[
          pl.BlockSpec((_R1, H), lambda i: (i, 0)),
          pl.BlockSpec((_R1, H), lambda i: (i, 0)),
      ],
      out_shape=[
          jax.ShapeDtypeStruct((N, H), jnp.float32),
          jax.ShapeDtypeStruct((N, H), jnp.float32),
      ],
  )(p3, root_prev, Wr, Wo, b)


_R2 = 2000


def _tc_pool_body(p_ref, root_ref, batch_ref, sums_ref, counts_ref):
  i = pl.program_id(0)
  p = p_ref[...]
  h = _elu(p[0] + p[1] + root_ref[...])
  gid = lax.broadcasted_iota(jnp.int32, (G, _R2), 0)
  mask = (gid == batch_ref[0]).astype(jnp.float32)

  @pl.when(i == 0)
  def _():
    sums_ref[...] = jnp.zeros_like(sums_ref)
    counts_ref[...] = jnp.zeros_like(counts_ref)

  sums_ref[...] += jnp.dot(mask, h, preferred_element_type=jnp.float32)
  counts_ref[...] += jnp.sum(mask, axis=1, keepdims=True)


def _tc_pool(partials, root, batch3d):
  p3 = partials.reshape(NC, N, H)
  grid = (N // _R2,)
  return pl.pallas_call(
      _tc_pool_body,
      grid=grid,
      in_specs=[
          pl.BlockSpec((NC, _R2, H), lambda i: (0, i, 0)),
          pl.BlockSpec((_R2, H), lambda i: (i, 0)),
          pl.BlockSpec((1, 1, _R2), lambda i: (i, 0, 0)),
      ],
      out_specs=[
          pl.BlockSpec((G, H), lambda i: (0, 0)),
          pl.BlockSpec((G, 1), lambda i: (0, 0)),
      ],
      out_shape=[
          jax.ShapeDtypeStruct((G, H), jnp.float32),
          jax.ShapeDtypeStruct((G, 1), jnp.float32),
      ],
  )(p3, root, batch3d)


def _tc_head_body(sums_ref, counts_ref, wl_ref, bl_ref, out_ref):
  pooled = sums_ref[...] / jnp.maximum(counts_ref[...], 1.0)
  logits = (
      jnp.dot(pooled, wl_ref[...], preferred_element_type=jnp.float32)
      + bl_ref[...])
  m = jnp.max(logits, axis=1, keepdims=True)
  lse = m + jnp.log(jnp.sum(jnp.exp(logits - m), axis=1, keepdims=True))
  out_ref[...] = logits - lse


def _tc_head(sums, counts, Wl, bl):
  return pl.pallas_call(
      _tc_head_body,
      out_shape=jax.ShapeDtypeStruct((G, C), jnp.float32),
  )(sums, counts, Wl, bl)


def kernel(x, edge_attr, W1_rel, b1_rel, W1_root, b1_root, W2_rel, b2_rel,
           W2_root, b2_root, W3_rel, b3_rel, W3_root, b3_root, W_lin, b_lin,
           edge_index, batch):
  del edge_attr
  src = edge_index[0]
  dst = edge_index[1]
  zeros = jnp.zeros((SLAB, H), jnp.float32)
  batch3d = batch.reshape(N // _R2, 1, _R2)

  b1 = (b1_rel + b1_root).reshape(1, H)
  b2 = (b2_rel + b2_root).reshape(1, H)
  b3 = (b3_rel + b3_root).reshape(1, H)

  hp1, root1 = _tc_pre(x, W1_rel, W1_root, b1)
  p1 = _sc_segment_sum(hp1, src, dst, zeros)
  hp2, root2 = _tc_mid(p1, root1, W2_rel, W2_root, b2)
  p2 = _sc_segment_sum(hp2, src, dst, zeros)
  hp3, root3 = _tc_mid(p2, root2, W3_rel, W3_root, b3)
  p3 = _sc_segment_sum(hp3, src, dst, zeros)
  sums, counts = _tc_pool(p3, root3, batch3d)
  return _tc_head(sums, counts, W_lin, b_lin.reshape(1, C))

# --- scband reference (transcript-rebuilt; emitter-appended) ---
"""Pipeline reference for scband-gcn-12661563588776 (READ-ONLY COPY).

The authoritative reference and input builder live on the scoring server;
editing this copy changes nothing except your own understanding.
"""

import jax, jax.numpy as jnp
import numpy as np

N = 10000
E = 320000
D = 128
H = 32
C = 2
G = 64


def setup_inputs(seed: int = 0) -> dict:
    key = jax.random.key(seed)
    ks = jax.random.split(key, 24)
    x = jax.random.normal(ks[0], (N, D), dtype=jnp.float32)
    edge_index = jax.random.randint(ks[1], (2, E), 0, N, dtype=jnp.int32)
    edge_attr = jax.random.normal(ks[2], (E, 4), dtype=jnp.float32)
    batch = jnp.sort(jax.random.randint(ks[3], (N,), 0, G, dtype=jnp.int32))
    def lin(k, fan_in, fan_out):
        s = 1.0 / np.sqrt(fan_in)
        return jax.random.uniform(k, (fan_in, fan_out), dtype=jnp.float32, minval=-s, maxval=s)
    inp = {
        "x": x,
        "edge_attr": edge_attr,
        "W1_rel": lin(ks[4], D, H), "b1_rel": jnp.zeros((H,), jnp.float32),
        "W1_root": lin(ks[5], D, H), "b1_root": jnp.zeros((H,), jnp.float32),
        "W2_rel": lin(ks[6], H, H), "b2_rel": jnp.zeros((H,), jnp.float32),
        "W2_root": lin(ks[7], H, H), "b2_root": jnp.zeros((H,), jnp.float32),
        "W3_rel": lin(ks[8], H, H), "b3_rel": jnp.zeros((H,), jnp.float32),
        "W3_root": lin(ks[9], H, H), "b3_root": jnp.zeros((H,), jnp.float32),
        "W_lin": lin(ks[10], H, C), "b_lin": jnp.zeros((C,), jnp.float32),
        "edge_index": edge_index,
        "batch": batch,
    }
    return inp


def reference(x, edge_attr, W1_rel, b1_rel, W1_root, b1_root, W2_rel, b2_rel, W2_root, b2_root, W3_rel, b3_rel, W3_root, b3_root, W_lin, b_lin, edge_index, batch):
    # eval mode: dropout is identity
    src = edge_index[0]
    dst = edge_index[1]

    def graph_conv(h, Wr, br, Wo, bo):
        # GraphConv (PyG): out = lin_rel(sum_{j in N(i)} x_j) + lin_root(x_i)
        msg = h[src]                                   # gather (SparseCore)
        agg = jax.ops.segment_sum(msg, dst, num_segments=N)  # scatter-add
        return agg @ Wr + br + h @ Wo + bo

    h = jax.nn.elu(graph_conv(x, W1_rel, b1_rel, W1_root, b1_root))
    h = jax.nn.elu(graph_conv(h, W2_rel, b2_rel, W2_root, b2_root))
    h = jax.nn.elu(graph_conv(h, W3_rel, b3_rel, W3_root, b3_root))

    # global_mean_pool over batch ids
    sums = jax.ops.segment_sum(h, batch, num_segments=G)
    counts = jax.ops.segment_sum(jnp.ones((N,), jnp.float32), batch, num_segments=G)
    pooled = sums / jnp.maximum(counts, 1.0)[:, None]

    logits = pooled @ W_lin + b_lin
    return jax.nn.log_softmax(logits, axis=1)

if __name__ == "__main__":
    import jax
    _d = setup_inputs()
    print(jax.jit(kernel)(*tuple(_d.values())))

</pallas_src>

<mosaic_0001>
#map = affine_map<(d0, d1) -> (0, 0)>
#map1 = affine_map<(d0, d1) -> (0)>
module attributes {stable_mosaic.version = 14 : i64} {
  func.func @seg_kernel(%arg0: i32, %arg1: i32, %arg2: memref<10000x32xf32, #tpu.memory_space<hbm>>, %arg3: memref<320000xi32, #tpu.memory_space<hbm>>, %arg4: memref<320000xi32, #tpu.memory_space<hbm>>, %arg5: memref<624x32xf32, #tpu.memory_space<hbm>>, %arg6: memref<20000x32xf32, #tpu.memory_space<hbm>>, %arg7: memref<80xi32, #tpu.memory_space<vmem>>, %arg8: memref<80xi32, #tpu.memory_space<vmem>>, %arg9: memref<80x32xf32, #tpu.memory_space<vmem>>, %arg10: memref<10000x32xf32, #tpu.memory_space<vmem_shared>>, %arg11: memref<!tpu.dma_semaphore, #tpu.memory_space<semaphore_mem>>) attributes {dimension_semantics = [#tpu.dimension_semantics<core_parallel>, #tpu.dimension_semantics<subcore_parallel>], iteration_bounds = array<i64: 2, 16>, scalar_prefetch = 0 : i64, scratch_operands = 5 : i64, tpu.core_type = #tpu.core_type<sc_vector_subcore>, window_params = [{transform_indices = #map}, {transform_indices = #map1}, {transform_indices = #map1}, {transform_indices = #map}, {transform_indices = #map}]} {
    %mul3A = arith.constant 624 : i32
    %mul3A_0 = arith.muli %arg1, %mul3A : i32
    "tpu.region"() ({
      %run_scoped3A = tpu.sem_alloc : memref<!tpu.dma_semaphore, #tpu.memory_space<semaphore_mem>>
      %dma_start3A = arith.constant 0 : i32
      %dma_start3A_25 = tpu.memref_slice %arg10[%mul3A_0, %dma_start3A] : memref<10000x32xf32, #tpu.memory_space<vmem_shared>> -> memref<624x32xf32, #tpu.memory_space<vmem_shared>>
      %dma_start3A_26 = arith.constant 0 : i32
      %dma_start3A_27 = arith.constant 0 : i32
      %dma_start3A_28 = tpu.memref_slice %arg5[%dma_start3A_26, %dma_start3A_27] : memref<624x32xf32, #tpu.memory_space<hbm>> -> memref<624x32xf32, #tpu.memory_space<hbm>>
      tpu.enqueue_dma source(%dma_start3A_28 : memref<624x32xf32, #tpu.memory_space<hbm>>) target(%dma_start3A_25 : memref<624x32xf32, #tpu.memory_space<vmem_shared>>) target_semaphore(%run_scoped3A : memref<!tpu.dma_semaphore, #tpu.memory_space<semaphore_mem>>)
      %dma_wait3A = arith.constant 0 : i32
      %dma_wait3A_29 = tpu.memref_slice %arg10[%mul3A_0, %dma_wait3A] : memref<10000x32xf32, #tpu.memory_space<vmem_shared>> -> memref<624x32xf32, #tpu.memory_space<vmem_shared>>
      %dma_wait3A_30 = arith.constant 0 : i32
      %dma_wait3A_31 = arith.constant 0 : i32
      %dma_wait3A_32 = tpu.memref_slice %arg5[%dma_wait3A_30, %dma_wait3A_31] : memref<624x32xf32, #tpu.memory_space<hbm>> -> memref<624x32xf32, #tpu.memory_space<hbm>>
      tpu.wait_dma2 semaphore(%run_scoped3A : memref<!tpu.dma_semaphore, #tpu.memory_space<semaphore_mem>>) src(%dma_wait3A_32 : memref<624x32xf32, #tpu.memory_space<hbm>>) dst(%dma_wait3A_29 : memref<624x32xf32, #tpu.memory_space<vmem_shared>>)
      tpu.yield
    }) : () -> ()
    %eq3A = arith.constant 15 : i32
    %eq3A_1 = arith.cmpi eq, %arg1, %eq3A : i32
    %convert_element_type3A = arith.extui %eq3A_1 : i1 to i32
    %cond3A = arith.constant 0 : i32
    %cond3A_2 = arith.cmpi ne, %convert_element_type3A, %cond3A : i32
    scf.if %cond3A_2 {
      "tpu.region"() ({
        %run_scoped3A = tpu.sem_alloc : memref<!tpu.dma_semaphore, #tpu.memory_space<semaphore_mem>>
        %dma_start3A = arith.constant 9984 : i32
        %dma_start3A_25 = arith.constant 0 : i32
        %dma_start3A_26 = tpu.memref_slice %arg10[%dma_start3A, %dma_start3A_25] : memref<10000x32xf32, #tpu.memory_space<vmem_shared>> -> memref<16x32xf32, #tpu.memory_space<vmem_shared>>
        %dma_start3A_27 = arith.constant 0 : i32
        %dma_start3A_28 = arith.constant 0 : i32
        %dma_start3A_29 = tpu.memref_slice %arg5[%dma_start3A_27, %dma_start3A_28] : memref<624x32xf32, #tpu.memory_space<hbm>> -> memref<16x32xf32, #tpu.memory_space<hbm>>
        tpu.enqueue_dma source(%dma_start3A_29 : memref<16x32xf32, #tpu.memory_space<hbm>>) target(%dma_start3A_26 : memref<16x32xf32, #tpu.memory_space<vmem_shared>>) target_semaphore(%run_scoped3A : memref<!tpu.dma_semaphore, #tpu.memory_space<semaphore_mem>>)
        %dma_wait3A = arith.constant 9984 : i32
        %dma_wait3A_30 = arith.constant 0 : i32
        %dma_wait3A_31 = tpu.memref_slice %arg10[%dma_wait3A, %dma_wait3A_30] : memref<10000x32xf32, #tpu.memory_space<vmem_shared>> -> memref<16x32xf32, #tpu.memory_space<vmem_shared>>
        %dma_wait3A_32 = arith.constant 0 : i32
        %dma_wait3A_33 = arith.constant 0 : i32
        %dma_wait3A_34 = tpu.memref_slice %arg5[%dma_wait3A_32, %dma_wait3A_33] : memref<624x32xf32, #tpu.memory_space<hbm>> -> memref<16x32xf32, #tpu.memory_space<hbm>>
        tpu.wait_dma2 semaphore(%run_scoped3A : memref<!tpu.dma_semaphore, #tpu.memory_space<semaphore_mem>>) src(%dma_wait3A_34 : memref<16x32xf32, #tpu.memory_space<hbm>>) dst(%dma_wait3A_31 : memref<16x32xf32, #tpu.memory_space<vmem_shared>>)
        tpu.yield
      }) : () -> ()
    } else {
    }
    %barrier3A = arith.constant 0 : index
    tpu.barrier barrier_id(%barrier3A)
    %mul3A_3 = arith.constant 16 : i32
    %mul3A_4 = arith.muli %arg0, %mul3A_3 : i32
    %add3A = arith.addi %mul3A_4, %arg1 : i32
    %mul3A_5 = arith.constant 10000 : i32
    %mul3A_6 = arith.muli %add3A, %mul3A_5 : i32
    %scan3A = arith.constant 0 : i32
    %scan3A_7 = arith.constant 0 : i32
    %scan3A_8 = arith.constant 125 : i32
    %scan3A_9 = arith.addi %scan3A_7, %scan3A_8 : i32
    %scan3A_10 = arith.constant 1 : i32
    scf.for %scan3A_25 = %scan3A_7 to %scan3A_9 step %scan3A_10  : i32 {
      %mul3A_26 = arith.constant 80 : i32
      %mul3A_27 = arith.muli %scan3A_25, %mul3A_26 : i32
      %add3A_28 = arith.addi %mul3A_6, %mul3A_27 : i32
      "tpu.region"() ({
        %run_scoped3A = tpu.sem_alloc : memref<!tpu.dma_semaphore, #tpu.memory_space<semaphore_mem>>
        %dma_start3A_33 = tpu.memref_slice %arg3[%add3A_28] : memref<320000xi32, #tpu.memory_space<hbm>> -> memref<80xi32, #tpu.memory_space<hbm>>
        %dma_start3A_34 = tpu.memref_slice %arg3[%add3A_28] : memref<320000xi32, #tpu.memory_space<hbm>> -> memref<80xi32, #tpu.memory_space<hbm>>
        tpu.enqueue_dma source(%dma_start3A_34 : memref<80xi32, #tpu.memory_space<hbm>>) target(%arg7 : memref<80xi32, #tpu.memory_space<vmem>>) target_semaphore(%run_scoped3A : memref<!tpu.dma_semaphore, #tpu.memory_space<semaphore_mem>>)
        %dma_wait3A_35 = tpu.memref_slice %arg3[%add3A_28] : memref<320000xi32, #tpu.memory_space<hbm>> -> memref<80xi32, #tpu.memory_space<hbm>>
        %dma_wait3A_36 = tpu.memref_slice %arg3[%add3A_28] : memref<320000xi32, #tpu.memory_space<hbm>> -> memref<80xi32, #tpu.memory_space<hbm>>
        tpu.wait_dma2 semaphore(%run_scoped3A : memref<!tpu.dma_semaphore, #tpu.memory_space<semaphore_mem>>) src(%dma_wait3A_36 : memref<80xi32, #tpu.memory_space<hbm>>) dst(%arg7 : memref<80xi32, #tpu.memory_space<vmem>>)
        tpu.yield
      }) : () -> ()
      "tpu.region"() ({
        %run_scoped3A = tpu.sem_alloc : memref<!tpu.dma_semaphore, #tpu.memory_space<semaphore_mem>>
        %dma_start3A_33 = tpu.memref_slice %arg4[%add3A_28] : memref<320000xi32, #tpu.memory_space<hbm>> -> memref<80xi32, #tpu.memory_space<hbm>>
        %dma_start3A_34 = tpu.memref_slice %arg4[%add3A_28] : memref<320000xi32, #tpu.memory_space<hbm>> -> memref<80xi32, #tpu.memory_space<hbm>>
        tpu.enqueue_dma source(%dma_start3A_34 : memref<80xi32, #tpu.memory_space<hbm>>) target(%arg8 : memref<80xi32, #tpu.memory_space<vmem>>) target_semaphore(%run_scoped3A : memref<!tpu.dma_semaphore, #tpu.memory_space<semaphore_mem>>)
        %dma_wait3A_35 = tpu.memref_slice %arg4[%add3A_28] : memref<320000xi32, #tpu.memory_space<hbm>> -> memref<80xi32, #tpu.memory_space<hbm>>
        %dma_wait3A_36 = tpu.memref_slice %arg4[%add3A_28] : memref<320000xi32, #tpu.memory_space<hbm>> -> memref<80xi32, #tpu.memory_space<hbm>>
        tpu.wait_dma2 semaphore(%run_scoped3A : memref<!tpu.dma_semaphore, #tpu.memory_space<semaphore_mem>>) src(%dma_wait3A_36 : memref<80xi32, #tpu.memory_space<hbm>>) dst(%arg8 : memref<80xi32, #tpu.memory_space<vmem>>)
        tpu.yield
      }) : () -> ()
      %dma_start3A = arith.constant 0 : i32
      %dma_start3A_29 = arith.constant 0 : i32
      %dma_start3A_30 = tpu.memref_slice %arg2[%dma_start3A, %dma_start3A_29] : memref<10000x32xf32, #tpu.memory_space<hbm>> -> memref<10000x32xf32, #tpu.memory_space<hbm>>
      tpu.enqueue_indirect_dma source(%dma_start3A_30 : memref<10000x32xf32, #tpu.memory_space<hbm>>) target(%arg9 : memref<80x32xf32, #tpu.memory_space<vmem>>) offsets(%arg7 : memref<80xi32, #tpu.memory_space<vmem>>) semaphore(%arg11 : memref<!tpu.dma_semaphore, #tpu.memory_space<semaphore_mem>>)
      %dma_wait3A = arith.constant 0 : i32
      %dma_wait3A_31 = arith.constant 0 : i32
      %dma_wait3A_32 = tpu.memref_slice %arg2[%dma_wait3A, %dma_wait3A_31] : memref<10000x32xf32, #tpu.memory_space<hbm>> -> memref<10000x32xf32, #tpu.memory_space<hbm>>
      tpu.wait_indirect_dma semaphore(%arg11 : memref<!tpu.dma_semaphore, #tpu.memory_space<semaphore_mem>>) src(%dma_wait3A_32 : memref<10000x32xf32, #tpu.memory_space<hbm>>) dst(%arg9 : memref<80x32xf32, #tpu.memory_space<vmem>>)
      "tpu.region"() ({
        %run_scoped3A = tpu.sem_alloc : memref<!tpu.dma_semaphore, #tpu.memory_space<semaphore_mem>>
        %dma_start3A_33 = arith.constant 0 : i32
        %dma_start3A_34 = arith.constant 0 : i32
        %dma_start3A_35 = tpu.memref_slice %arg10[%dma_start3A_33, %dma_start3A_34] : memref<10000x32xf32, #tpu.memory_space<vmem_shared>> -> memref<10000x32xf32, #tpu.memory_space<vmem_shared>>
        tpu.enqueue_indirect_dma source(%arg9 : memref<80x32xf32, #tpu.memory_space<vmem>>) target(%dma_start3A_35 : memref<10000x32xf32, #tpu.memory_space<vmem_shared>>) offsets(%arg8 : memref<80xi32, #tpu.memory_space<vmem>>) semaphore(%run_scoped3A : memref<!tpu.dma_semaphore, #tpu.memory_space<semaphore_mem>>) {add = true}
        %dma_wait3A_36 = arith.constant 0 : i32
        %dma_wait3A_37 = arith.constant 0 : i32
        %dma_wait3A_38 = tpu.memref_slice %arg10[%dma_wait3A_36, %dma_wait3A_37] : memref<10000x32xf32, #tpu.memory_space<vmem_shared>> -> memref<10000x32xf32, #tpu.memory_space<vmem_shared>>
        tpu.wait_indirect_dma semaphore(%run_scoped3A : memref<!tpu.dma_semaphore, #tpu.memory_space<semaphore_mem>>) src(%arg9 : memref<80x32xf32, #tpu.memory_space<vmem>>) dst(%dma_wait3A_38 : memref<10000x32xf32, #tpu.memory_space<vmem_shared>>)
        tpu.yield
      }) : () -> ()
    }
    %scan3A_11 = arith.constant 125 : i32
    %barrier3A_12 = arith.constant 0 : index
    tpu.barrier barrier_id(%barrier3A_12)
    %mul3A_13 = arith.constant 624 : i32
    %mul3A_14 = arith.muli %arg1, %mul3A_13 : i32
    %mul3A_15 = arith.constant 10000 : i32
    %mul3A_16 = arith.muli %arg0, %mul3A_15 : i32
    %mul3A_17 = arith.constant 624 : i32
    %mul3A_18 = arith.muli %arg1, %mul3A_17 : i32
    %add3A_19 = arith.addi %mul3A_16, %mul3A_18 : i32
    "tpu.region"() ({
      %run_scoped3A = tpu.sem_alloc : memref<!tpu.dma_semaphore, #tpu.memory_space<semaphore_mem>>
      %dma_start3A = arith.constant 0 : i32
      %dma_start3A_25 = tpu.memref_slice %arg6[%add3A_19, %dma_start3A] : memref<20000x32xf32, #tpu.memory_space<hbm>> -> memref<624x32xf32, #tpu.memory_space<hbm>>
      %dma_start3A_26 = arith.constant 0 : i32
      %dma_start3A_27 = tpu.memref_slice %arg10[%mul3A_14, %dma_start3A_26] : memref<10000x32xf32, #tpu.memory_space<vmem_shared>> -> memref<624x32xf32, #tpu.memory_space<vmem_shared>>
      tpu.enqueue_dma source(%dma_start3A_27 : memref<624x32xf32, #tpu.memory_space<vmem_shared>>) target(%dma_start3A_25 : memref<624x32xf32, #tpu.memory_space<hbm>>) target_semaphore(%run_scoped3A : memref<!tpu.dma_semaphore, #tpu.memory_space<semaphore_mem>>)
      %dma_wait3A = arith.constant 0 : i32
      %dma_wait3A_28 = tpu.memref_slice %arg6[%add3A_19, %dma_wait3A] : memref<20000x32xf32, #tpu.memory_space<hbm>> -> memref<624x32xf32, #tpu.memory_space<hbm>>
      %dma_wait3A_29 = arith.constant 0 : i32
      %dma_wait3A_30 = tpu.memref_slice %arg10[%mul3A_14, %dma_wait3A_29] : memref<10000x32xf32, #tpu.memory_space<vmem_shared>> -> memref<624x32xf32, #tpu.memory_space<vmem_shared>>
      tpu.wait_dma2 semaphore(%run_scoped3A : memref<!tpu.dma_semaphore, #tpu.memory_space<semaphore_mem>>) src(%dma_wait3A_30 : memref<624x32xf32, #tpu.memory_space<vmem_shared>>) dst(%dma_wait3A_28 : memref<624x32xf32, #tpu.memory_space<hbm>>)
      tpu.yield
    }) : () -> ()
    %eq3A_20 = arith.constant 15 : i32
    %eq3A_21 = arith.cmpi eq, %arg1, %eq3A_20 : i32
    %convert_element_type3A_22 = arith.extui %eq3A_21 : i1 to i32
    %cond3A_23 = arith.constant 0 : i32
    %cond3A_24 = arith.cmpi ne, %convert_element_type3A_22, %cond3A_23 : i32
    scf.if %cond3A_24 {
      %mul3A_25 = arith.constant 10000 : i32
      %mul3A_26 = arith.muli %arg0, %mul3A_25 : i32
      %add3A_27 = arith.constant 9984 : i32
      %add3A_28 = arith.addi %mul3A_26, %add3A_27 : i32
      "tpu.region"() ({
        %run_scoped3A = tpu.sem_alloc : memref<!tpu.dma_semaphore, #tpu.memory_space<semaphore_mem>>
        %dma_start3A = arith.constant 0 : i32
        %dma_start3A_29 = tpu.memref_slice %arg6[%add3A_28, %dma_start3A] : memref<20000x32xf32, #tpu.memory_space<hbm>> -> memref<16x32xf32, #tpu.memory_space<hbm>>
        %dma_start3A_30 = arith.constant 9984 : i32
        %dma_start3A_31 = arith.constant 0 : i32
        %dma_start3A_32 = tpu.memref_slice %arg10[%dma_start3A_30, %dma_start3A_31] : memref<10000x32xf32, #tpu.memory_space<vmem_shared>> -> memref<16x32xf32, #tpu.memory_space<vmem_shared>>
        tpu.enqueue_dma source(%dma_start3A_32 : memref<16x32xf32, #tpu.memory_space<vmem_shared>>) target(%dma_start3A_29 : memref<16x32xf32, #tpu.memory_space<hbm>>) target_semaphore(%run_scoped3A : memref<!tpu.dma_semaphore, #tpu.memory_space<semaphore_mem>>)
        %dma_wait3A = arith.constant 0 : i32
        %dma_wait3A_33 = tpu.memref_slice %arg6[%add3A_28, %dma_wait3A] : memref<20000x32xf32, #tpu.memory_space<hbm>> -> memref<16x32xf32, #tpu.memory_space<hbm>>
        %dma_wait3A_34 = arith.constant 9984 : i32
        %dma_wait3A_35 = arith.constant 0 : i32
        %dma_wait3A_36 = tpu.memref_slice %arg10[%dma_wait3A_34, %dma_wait3A_35] : memref<10000x32xf32, #tpu.memory_space<vmem_shared>> -> memref<16x32xf32, #tpu.memory_space<vmem_shared>>
        tpu.wait_dma2 semaphore(%run_scoped3A : memref<!tpu.dma_semaphore, #tpu.memory_space<semaphore_mem>>) src(%dma_wait3A_36 : memref<16x32xf32, #tpu.memory_space<vmem_shared>>) dst(%dma_wait3A_33 : memref<16x32xf32, #tpu.memory_space<hbm>>)
        tpu.yield
      }) : () -> ()
    } else {
    }
    return
  }
}

#map = affine_map<(d0, d1) -> (0, 0)>
#map1 = affine_map<(d0, d1) -> (0)>
module attributes {stable_mosaic.version = 14 : i64} {
  func.func @seg_kernel(%arg0: i32, %arg1: i32, %arg2: memref<10000x32xf32, #tpu.memory_space<hbm>>, %arg3: memref<320000xi32, #tpu.memory_space<hbm>>, %arg4: memref<320000xi32, #tpu.memory_space<hbm>>, %arg5: memref<624x32xf32, #tpu.memory_space<hbm>>, %arg6: memref<20000x32xf32, #tpu.memory_space<hbm>>, %arg7: memref<80xi32, #tpu.memory_space<vmem>>, %arg8: memref<80xi32, #tpu.memory_space<vmem>>, %arg9: memref<80x32xf32, #tpu.memory_space<vmem>>, %arg10: memref<10000x32xf32, #tpu.memory_space<vmem_shared>>, %arg11: memref<!tpu.dma_semaphore, #tpu.memory_space<semaphore_mem>>) attributes {dimension_semantics = [#tpu.dimension_semantics<core_parallel>, #tpu.dimension_semantics<subcore_parallel>], iteration_bounds = array<i64: 2, 16>, scalar_prefetch = 0 : i64, scratch_operands = 5 : i64, tpu.core_type = #tpu.core_type<sc_vector_subcore>, window_params = [{transform_indices = #map}, {transform_indices = #map1}, {transform_indices = #map1}, {transform_indices = #map}, {transform_indices = #map}]} {
    %mul3A = arith.constant 624 : i32
    %mul3A_0 = arith.muli %arg1, %mul3A : i32
    "tpu.region"() ({
      %run_scoped3A = tpu.sem_alloc : memref<!tpu.dma_semaphore, #tpu.memory_space<semaphore_mem>>
      %dma_start3A = arith.constant 0 : i32
      %dma_start3A_25 = tpu.memref_slice %arg10[%mul3A_0, %dma_start3A] : memref<10000x32xf32, #tpu.memory_space<vmem_shared>> -> memref<624x32xf32, #tpu.memory_space<vmem_shared>>
      %dma_start3A_26 = arith.constant 0 : i32
      %dma_start3A_27 = arith.constant 0 : i32
      %dma_start3A_28 = tpu.memref_slice %arg5[%dma_start3A_26, %dma_start3A_27] : memref<624x32xf32, #tpu.memory_space<hbm>> -> memref<624x32xf32, #tpu.memory_space<hbm>>
      tpu.enqueue_dma source(%dma_start3A_28 : memref<624x32xf32, #tpu.memory_space<hbm>>) target(%dma_start3A_25 : memref<624x32xf32, #tpu.memory_space<vmem_shared>>) target_semaphore(%run_scoped3A : memref<!tpu.dma_semaphore, #tpu.memory_space<semaphore_mem>>)
      %dma_wait3A = arith.constant 0 : i32
      %dma_wait3A_29 = tpu.memref_slice %arg10[%mul3A_0, %dma_wait3A] : memref<10000x32xf32, #tpu.memory_space<vmem_shared>> -> memref<624x32xf32, #tpu.memory_space<vmem_shared>>
      %dma_wait3A_30 = arith.constant 0 : i32
      %dma_wait3A_31 = arith.constant 0 : i32
      %dma_wait3A_32 = tpu.memref_slice %arg5[%dma_wait3A_30, %dma_wait3A_31] : memref<624x32xf32, #tpu.memory_space<hbm>> -> memref<624x32xf32, #tpu.memory_space<hbm>>
      tpu.wait_dma2 semaphore(%run_scoped3A : memref<!tpu.dma_semaphore, #tpu.memory_space<semaphore_mem>>) src(%dma_wait3A_32 : memref<624x32xf32, #tpu.memory_space<hbm>>) dst(%dma_wait3A_29 : memref<624x32xf32, #tpu.memory_space<vmem_shared>>)
      tpu.yield
    }) : () -> ()
    %eq3A = arith.constant 15 : i32
    %eq3A_1 = arith.cmpi eq, %arg1, %eq3A : i32
    %convert_element_type3A = arith.extui %eq3A_1 : i1 to i32
    %cond3A = arith.constant 0 : i32
    %cond3A_2 = arith.cmpi ne, %convert_element_type3A, %cond3A : i32
    scf.if %cond3A_2 {
      "tpu.region"() ({
        %run_scoped3A = tpu.sem_alloc : memref<!tpu.dma_semaphore, #tpu.memory_space<semaphore_mem>>
        %dma_start3A = arith.constant 9984 : i32
        %dma_start3A_25 = arith.constant 0 : i32
        %dma_start3A_26 = tpu.memref_slice %arg10[%dma_start3A, %dma_start3A_25] : memref<10000x32xf32, #tpu.memory_space<vmem_shared>> -> memref<16x32xf32, #tpu.memory_space<vmem_shared>>
        %dma_start3A_27 = arith.constant 0 : i32
        %dma_start3A_28 = arith.constant 0 : i32
        %dma_start3A_29 = tpu.memref_slice %arg5[%dma_start3A_27, %dma_start3A_28] : memref<624x32xf32, #tpu.memory_space<hbm>> -> memref<16x32xf32, #tpu.memory_space<hbm>>
        tpu.enqueue_dma source(%dma_start3A_29 : memref<16x32xf32, #tpu.memory_space<hbm>>) target(%dma_start3A_26 : memref<16x32xf32, #tpu.memory_space<vmem_shared>>) target_semaphore(%run_scoped3A : memref<!tpu.dma_semaphore, #tpu.memory_space<semaphore_mem>>)
        %dma_wait3A = arith.constant 9984 : i32
        %dma_wait3A_30 = arith.constant 0 : i32
        %dma_wait3A_31 = tpu.memref_slice %arg10[%dma_wait3A, %dma_wait3A_30] : memref<10000x32xf32, #tpu.memory_space<vmem_shared>> -> memref<16x32xf32, #tpu.memory_space<vmem_shared>>
        %dma_wait3A_32 = arith.constant 0 : i32
        %dma_wait3A_33 = arith.constant 0 : i32
        %dma_wait3A_34 = tpu.memref_slice %arg5[%dma_wait3A_32, %dma_wait3A_33] : memref<624x32xf32, #tpu.memory_space<hbm>> -> memref<16x32xf32, #tpu.memory_space<hbm>>
        tpu.wait_dma2 semaphore(%run_scoped3A : memref<!tpu.dma_semaphore, #tpu.memory_space<semaphore_mem>>) src(%dma_wait3A_34 : memref<16x32xf32, #tpu.memory_space<hbm>>) dst(%dma_wait3A_31 : memref<16x32xf32, #tpu.memory_space<vmem_shared>>)
        tpu.yield
      }) : () -> ()
    } else {
    }
    %barrier3A = arith.constant 0 : index
    tpu.barrier barrier_id(%barrier3A)
    %mul3A_3 = arith.constant 16 : i32
    %mul3A_4 = arith.muli %arg0, %mul3A_3 : i32
    %add3A = arith.addi %mul3A_4, %arg1 : i32
    %mul3A_5 = arith.constant 10000 : i32
    %mul3A_6 = arith.muli %add3A, %mul3A_5 : i32
    %scan3A = arith.constant 0 : i32
    %scan3A_7 = arith.constant 0 : i32
    %scan3A_8 = arith.constant 125 : i32
    %scan3A_9 = arith.addi %scan3A_7, %scan3A_8 : i32
    %scan3A_10 = arith.constant 1 : i32
    scf.for %scan3A_25 = %scan3A_7 to %scan3A_9 step %scan3A_10  : i32 {
      %mul3A_26 = arith.constant 80 : i32
      %mul3A_27 = arith.muli %scan3A_25, %mul3A_26 : i32
      %add3A_28 = arith.addi %mul3A_6, %mul3A_27 : i32
      "tpu.region"() ({
        %run_scoped3A = tpu.sem_alloc : memref<!tpu.dma_semaphore, #tpu.memory_space<semaphore_mem>>
        %dma_start3A_33 = tpu.memref_slice %arg3[%add3A_28] : memref<320000xi32, #tpu.memory_space<hbm>> -> memref<80xi32, #tpu.memory_space<hbm>>
        %dma_start3A_34 = tpu.memref_slice %arg3[%add3A_28] : memref<320000xi32, #tpu.memory_space<hbm>> -> memref<80xi32, #tpu.memory_space<hbm>>
        tpu.enqueue_dma source(%dma_start3A_34 : memref<80xi32, #tpu.memory_space<hbm>>) target(%arg7 : memref<80xi32, #tpu.memory_space<vmem>>) target_semaphore(%run_scoped3A : memref<!tpu.dma_semaphore, #tpu.memory_space<semaphore_mem>>)
        %dma_wait3A_35 = tpu.memref_slice %arg3[%add3A_28] : memref<320000xi32, #tpu.memory_space<hbm>> -> memref<80xi32, #tpu.memory_space<hbm>>
        %dma_wait3A_36 = tpu.memref_slice %arg3[%add3A_28] : memref<320000xi32, #tpu.memory_space<hbm>> -> memref<80xi32, #tpu.memory_space<hbm>>
        tpu.wait_dma2 semaphore(%run_scoped3A : memref<!tpu.dma_semaphore, #tpu.memory_space<semaphore_mem>>) src(%dma_wait3A_36 : memref<80xi32, #tpu.memory_space<hbm>>) dst(%arg7 : memref<80xi32, #tpu.memory_space<vmem>>)
        tpu.yield
      }) : () -> ()
      "tpu.region"() ({
        %run_scoped3A = tpu.sem_alloc : memref<!tpu.dma_semaphore, #tpu.memory_space<semaphore_mem>>
        %dma_start3A_33 = tpu.memref_slice %arg4[%add3A_28] : memref<320000xi32, #tpu.memory_space<hbm>> -> memref<80xi32, #tpu.memory_space<hbm>>
        %dma_start3A_34 = tpu.memref_slice %arg4[%add3A_28] : memref<320000xi32, #tpu.memory_space<hbm>> -> memref<80xi32, #tpu.memory_space<hbm>>
        tpu.enqueue_dma source(%dma_start3A_34 : memref<80xi32, #tpu.memory_space<hbm>>) target(%arg8 : memref<80xi32, #tpu.memory_space<vmem>>) target_semaphore(%run_scoped3A : memref<!tpu.dma_semaphore, #tpu.memory_space<semaphore_mem>>)
        %dma_wait3A_35 = tpu.memref_slice %arg4[%add3A_28] : memref<320000xi32, #tpu.memory_space<hbm>> -> memref<80xi32, #tpu.memory_space<hbm>>
        %dma_wait3A_36 = tpu.memref_slice %arg4[%add3A_28] : memref<320000xi32, #tpu.memory_space<hbm>> -> memref<80xi32, #tpu.memory_space<hbm>>
        tpu.wait_dma2 semaphore(%run_scoped3A : memref<!tpu.dma_semaphore, #tpu.memory_space<semaphore_mem>>) src(%dma_wait3A_36 : memref<80xi32, #tpu.memory_space<hbm>>) dst(%arg8 : memref<80xi32, #tpu.memory_space<vmem>>)
        tpu.yield
      }) : () -> ()
      %dma_start3A = arith.constant 0 : i32
      %dma_start3A_29 = arith.constant 0 : i32
      %dma_start3A_30 = tpu.memref_slice %arg2[%dma_start3A, %dma_start3A_29] : memref<10000x32xf32, #tpu.memory_space<hbm>> -> memref<10000x32xf32, #tpu.memory_space<hbm>>
      tpu.enqueue_indirect_dma source(%dma_start3A_30 : memref<10000x32xf32, #tpu.memory_space<hbm>>) target(%arg9 : memref<80x32xf32, #tpu.memory_space<vmem>>) offsets(%arg7 : memref<80xi32, #tpu.memory_space<vmem>>) semaphore(%arg11 : memref<!tpu.dma_semaphore, #tpu.memory_space<semaphore_mem>>)
      %dma_wait3A = arith.constant 0 : i32
      %dma_wait3A_31 = arith.constant 0 : i32
      %dma_wait3A_32 = tpu.memref_slice %arg2[%dma_wait3A, %dma_wait3A_31] : memref<10000x32xf32, #tpu.memory_space<hbm>> -> memref<10000x32xf32, #tpu.memory_space<hbm>>
      tpu.wait_indirect_dma semaphore(%arg11 : memref<!tpu.dma_semaphore, #tpu.memory_space<semaphore_mem>>) src(%dma_wait3A_32 : memref<10000x32xf32, #tpu.memory_space<hbm>>) dst(%arg9 : memref<80x32xf32, #tpu.memory_space<vmem>>)
      "tpu.region"() ({
        %run_scoped3A = tpu.sem_alloc : memref<!tpu.dma_semaphore, #tpu.memory_space<semaphore_mem>>
        %dma_start3A_33 = arith.constant 0 : i32
        %dma_start3A_34 = arith.constant 0 : i32
        %dma_start3A_35 = tpu.memref_slice %arg10[%dma_start3A_33, %dma_start3A_34] : memref<10000x32xf32, #tpu.memory_space<vmem_shared>> -> memref<10000x32xf32, #tpu.memory_space<vmem_shared>>
        tpu.enqueue_indirect_dma source(%arg9 : memref<80x32xf32, #tpu.memory_space<vmem>>) target(%dma_start3A_35 : memref<10000x32xf32, #tpu.memory_space<vmem_shared>>) offsets(%arg8 : memref<80xi32, #tpu.memory_space<vmem>>) semaphore(%run_scoped3A : memref<!tpu.dma_semaphore, #tpu.memory_space<semaphore_mem>>) {add = true}
        %dma_wait3A_36 = arith.constant 0 : i32
        %dma_wait3A_37 = arith.constant 0 : i32
        %dma_wait3A_38 = tpu.memref_slice %arg10[%dma_wait3A_36, %dma_wait3A_37] : memref<10000x32xf32, #tpu.memory_space<vmem_shared>> -> memref<10000x32xf32, #tpu.memory_space<vmem_shared>>
        tpu.wait_indirect_dma semaphore(%run_scoped3A : memref<!tpu.dma_semaphore, #tpu.memory_space<semaphore_mem>>) src(%arg9 : memref<80x32xf32, #tpu.memory_space<vmem>>) dst(%dma_wait3A_38 : memref<10000x32xf32, #tpu.memory_space<vmem_shared>>)
        tpu.yield
      }) : () -> ()
    }
    %scan3A_11 = arith.constant 125 : i32
    %barrier3A_12 = arith.constant 0 : index
    tpu.barrier barrier_id(%barrier3A_12)
    %mul3A_13 = arith.constant 624 : i32
    %mul3A_14 = arith.muli %arg1, %mul3A_13 : i32
    %mul3A_15 = arith.constant 10000 : i32
    %mul3A_16 = arith.muli %arg0, %mul3A_15 : i32
    %mul3A_17 = arith.constant 624 : i32
    %mul3A_18 = arith.muli %arg1, %mul3A_17 : i32
    %add3A_19 = arith.addi %mul3A_16, %mul3A_18 : i32
    "tpu.region"() ({
      %run_scoped3A = tpu.sem_alloc : memref<!tpu.dma_semaphore, #tpu.memory_space<semaphore_mem>>
      %dma_start3A = arith.constant 0 : i32
      %dma_start3A_25 = tpu.memref_slice %arg6[%add3A_19, %dma_start3A] : memref<20000x32xf32, #tpu.memory_space<hbm>> -> memref<624x32xf32, #tpu.memory_space<hbm>>
      %dma_start3A_26 = arith.constant 0 : i32
      %dma_start3A_27 = tpu.memref_slice %arg10[%mul3A_14, %dma_start3A_26] : memref<10000x32xf32, #tpu.memory_space<vmem_shared>> -> memref<624x32xf32, #tpu.memory_space<vmem_shared>>
      tpu.enqueue_dma source(%dma_start3A_27 : memref<624x32xf32, #tpu.memory_space<vmem_shared>>) target(%dma_start3A_25 : memref<624x32xf32, #tpu.memory_space<hbm>>) target_semaphore(%run_scoped3A : memref<!tpu.dma_semaphore, #tpu.memory_space<semaphore_mem>>)
      %dma_wait3A = arith.constant 0 : i32
      %dma_wait3A_28 = tpu.memref_slice %arg6[%add3A_19, %dma_wait3A] : memref<20000x32xf32, #tpu.memory_space<hbm>> -> memref<624x32xf32, #tpu.memory_space<hbm>>
      %dma_wait3A_29 = arith.constant 0 : i32
      %dma_wait3A_30 = tpu.memref_slice %arg10[%mul3A_14, %dma_wait3A_29] : memref<10000x32xf32, #tpu.memory_space<vmem_shared>> -> memref<624x32xf32, #tpu.memory_space<vmem_shared>>
      tpu.wait_dma2 semaphore(%run_scoped3A : memref<!tpu.dma_semaphore, #tpu.memory_space<semaphore_mem>>) src(%dma_wait3A_30 : memref<624x32xf32, #tpu.memory_space<vmem_shared>>) dst(%dma_wait3A_28 : memref<624x32xf32, #tpu.memory_space<hbm>>)
      tpu.yield
    }) : () -> ()
    %eq3A_20 = arith.constant 15 : i32
    %eq3A_21 = arith.cmpi eq, %arg1, %eq3A_20 : i32
    %convert_element_type3A_22 = arith.extui %eq3A_21 : i1 to i32
    %cond3A_23 = arith.constant 0 : i32
    %cond3A_24 = arith.cmpi ne, %convert_element_type3A_22, %cond3A_23 : i32
    scf.if %cond3A_24 {
      %mul3A_25 = arith.constant 10000 : i32
      %mul3A_26 = arith.muli %arg0, %mul3A_25 : i32
      %add3A_27 = arith.constant 9984 : i32
      %add3A_28 = arith.addi %mul3A_26, %add3A_27 : i32
      "tpu.region"() ({
        %run_scoped3A = tpu.sem_alloc : memref<!tpu.dma_semaphore, #tpu.memory_space<semaphore_mem>>
        %dma_start3A = arith.constant 0 : i32
        %dma_start3A_29 = tpu.memref_slice %arg6[%add3A_28, %dma_start3A] : memref<20000x32xf32, #tpu.memory_space<hbm>> -> memref<16x32xf32, #tpu.memory_space<hbm>>
        %dma_start3A_30 = arith.constant 9984 : i32
        %dma_start3A_31 = arith.constant 0 : i32
        %dma_start3A_32 = tpu.memref_slice %arg10[%dma_start3A_30, %dma_start3A_31] : memref<10000x32xf32, #tpu.memory_space<vmem_shared>> -> memref<16x32xf32, #tpu.memory_space<vmem_shared>>
        tpu.enqueue_dma source(%dma_start3A_32 : memref<16x32xf32, #tpu.memory_space<vmem_shared>>) target(%dma_start3A_29 : memref<16x32xf32, #tpu.memory_space<hbm>>) target_semaphore(%run_scoped3A : memref<!tpu.dma_semaphore, #tpu.memory_space<semaphore_mem>>)
        %dma_wait3A = arith.constant 0 : i32
        %dma_wait3A_33 = tpu.memref_slice %arg6[%add3A_28, %dma_wait3A] : memref<20000x32xf32, #tpu.memory_space<hbm>> -> memref<16x32xf32, #tpu.memory_space<hbm>>
        %dma_wait3A_34 = arith.constant 9984 : i32
        %dma_wait3A_35 = arith.constant 0 : i32
        %dma_wait3A_36 = tpu.memref_slice %arg10[%dma_wait3A_34, %dma_wait3A_35] : memref<10000x32xf32, #tpu.memory_space<vmem_shared>> -> memref<16x32xf32, #tpu.memory_space<vmem_shared>>
        tpu.wait_dma2 semaphore(%run_scoped3A : memref<!tpu.dma_semaphore, #tpu.memory_space<semaphore_mem>>) src(%dma_wait3A_36 : memref<16x32xf32, #tpu.memory_space<vmem_shared>>) dst(%dma_wait3A_33 : memref<16x32xf32, #tpu.memory_space<hbm>>)
        tpu.yield
      }) : () -> ()
    } else {
    }
    return
  }
}

#map = affine_map<(d0, d1) -> (0, 0)>
#map1 = affine_map<(d0, d1) -> (0)>
module attributes {stable_mosaic.version = 14 : i64} {
  func.func @seg_kernel(%arg0: i32, %arg1: i32, %arg2: memref<10000x32xf32, #tpu.memory_space<hbm>>, %arg3: memref<320000xi32, #tpu.memory_space<hbm>>, %arg4: memref<320000xi32, #tpu.memory_space<hbm>>, %arg5: memref<624x32xf32, #tpu.memory_space<hbm>>, %arg6: memref<20000x32xf32, #tpu.memory_space<hbm>>, %arg7: memref<80xi32, #tpu.memory_space<vmem>>, %arg8: memref<80xi32, #tpu.memory_space<vmem>>, %arg9: memref<80x32xf32, #tpu.memory_space<vmem>>, %arg10: memref<10000x32xf32, #tpu.memory_space<vmem_shared>>, %arg11: memref<!tpu.dma_semaphore, #tpu.memory_space<semaphore_mem>>) attributes {dimension_semantics = [#tpu.dimension_semantics<core_parallel>, #tpu.dimension_semantics<subcore_parallel>], iteration_bounds = array<i64: 2, 16>, scalar_prefetch = 0 : i64, scratch_operands = 5 : i64, tpu.core_type = #tpu.core_type<sc_vector_subcore>, window_params = [{transform_indices = #map}, {transform_indices = #map1}, {transform_indices = #map1}, {transform_indices = #map}, {transform_indices = #map}]} {
    %mul3A = arith.constant 624 : i32
    %mul3A_0 = arith.muli %arg1, %mul3A : i32
    "tpu.region"() ({
      %run_scoped3A = tpu.sem_alloc : memref<!tpu.dma_semaphore, #tpu.memory_space<semaphore_mem>>
      %dma_start3A = arith.constant 0 : i32
      %dma_start3A_25 = tpu.memref_slice %arg10[%mul3A_0, %dma_start3A] : memref<10000x32xf32, #tpu.memory_space<vmem_shared>> -> memref<624x32xf32, #tpu.memory_space<vmem_shared>>
      %dma_start3A_26 = arith.constant 0 : i32
      %dma_start3A_27 = arith.constant 0 : i32
      %dma_start3A_28 = tpu.memref_slice %arg5[%dma_start3A_26, %dma_start3A_27] : memref<624x32xf32, #tpu.memory_space<hbm>> -> memref<624x32xf32, #tpu.memory_space<hbm>>
      tpu.enqueue_dma source(%dma_start3A_28 : memref<624x32xf32, #tpu.memory_space<hbm>>) target(%dma_start3A_25 : memref<624x32xf32, #tpu.memory_space<vmem_shared>>) target_semaphore(%run_scoped3A : memref<!tpu.dma_semaphore, #tpu.memory_space<semaphore_mem>>)
      %dma_wait3A = arith.constant 0 : i32
      %dma_wait3A_29 = tpu.memref_slice %arg10[%mul3A_0, %dma_wait3A] : memref<10000x32xf32, #tpu.memory_space<vmem_shared>> -> memref<624x32xf32, #tpu.memory_space<vmem_shared>>
      %dma_wait3A_30 = arith.constant 0 : i32
      %dma_wait3A_31 = arith.constant 0 : i32
      %dma_wait3A_32 = tpu.memref_slice %arg5[%dma_wait3A_30, %dma_wait3A_31] : memref<624x32xf32, #tpu.memory_space<hbm>> -> memref<624x32xf32, #tpu.memory_space<hbm>>
      tpu.wait_dma2 semaphore(%run_scoped3A : memref<!tpu.dma_semaphore, #tpu.memory_space<semaphore_mem>>) src(%dma_wait3A_32 : memref<624x32xf32, #tpu.memory_space<hbm>>) dst(%dma_wait3A_29 : memref<624x32xf32, #tpu.memory_space<vmem_shared>>)
      tpu.yield
    }) : () -> ()
    %eq3A = arith.constant 15 : i32
    %eq3A_1 = arith.cmpi eq, %arg1, %eq3A : i32
    %convert_element_type3A = arith.extui %eq3A_1 : i1 to i32
    %cond3A = arith.constant 0 : i32
    %cond3A_2 = arith.cmpi ne, %convert_element_type3A, %cond3A : i32
    scf.if %cond3A_2 {
      "tpu.region"() ({
        %run_scoped3A = tpu.sem_alloc : memref<!tpu.dma_semaphore, #tpu.memory_space<semaphore_mem>>
        %dma_start3A = arith.constant 9984 : i32
        %dma_start3A_25 = arith.constant 0 : i32
        %dma_start3A_26 = tpu.memref_slice %arg10[%dma_start3A, %dma_start3A_25] : memref<10000x32xf32, #tpu.memory_space<vmem_shared>> -> memref<16x32xf32, #tpu.memory_space<vmem_shared>>
        %dma_start3A_27 = arith.constant 0 : i32
        %dma_start3A_28 = arith.constant 0 : i32
        %dma_start3A_29 = tpu.memref_slice %arg5[%dma_start3A_27, %dma_start3A_28] : memref<624x32xf32, #tpu.memory_space<hbm>> -> memref<16x32xf32, #tpu.memory_space<hbm>>
        tpu.enqueue_dma source(%dma_start3A_29 : memref<16x32xf32, #tpu.memory_space<hbm>>) target(%dma_start3A_26 : memref<16x32xf32, #tpu.memory_space<vmem_shared>>) target_semaphore(%run_scoped3A : memref<!tpu.dma_semaphore, #tpu.memory_space<semaphore_mem>>)
        %dma_wait3A = arith.constant 9984 : i32
        %dma_wait3A_30 = arith.constant 0 : i32
        %dma_wait3A_31 = tpu.memref_slice %arg10[%dma_wait3A, %dma_wait3A_30] : memref<10000x32xf32, #tpu.memory_space<vmem_shared>> -> memref<16x32xf32, #tpu.memory_space<vmem_shared>>
        %dma_wait3A_32 = arith.constant 0 : i32
        %dma_wait3A_33 = arith.constant 0 : i32
        %dma_wait3A_34 = tpu.memref_slice %arg5[%dma_wait3A_32, %dma_wait3A_33] : memref<624x32xf32, #tpu.memory_space<hbm>> -> memref<16x32xf32, #tpu.memory_space<hbm>>
        tpu.wait_dma2 semaphore(%run_scoped3A : memref<!tpu.dma_semaphore, #tpu.memory_space<semaphore_mem>>) src(%dma_wait3A_34 : memref<16x32xf32, #tpu.memory_space<hbm>>) dst(%dma_wait3A_31 : memref<16x32xf32, #tpu.memory_space<vmem_shared>>)
        tpu.yield
      }) : () -> ()
    } else {
    }
    %barrier3A = arith.constant 0 : index
    tpu.barrier barrier_id(%barrier3A)
    %mul3A_3 = arith.constant 16 : i32
    %mul3A_4 = arith.muli %arg0, %mul3A_3 : i32
    %add3A = arith.addi %mul3A_4, %arg1 : i32
    %mul3A_5 = arith.constant 10000 : i32
    %mul3A_6 = arith.muli %add3A, %mul3A_5 : i32
    %scan3A = arith.constant 0 : i32
    %scan3A_7 = arith.constant 0 : i32
    %scan3A_8 = arith.constant 125 : i32
    %scan3A_9 = arith.addi %scan3A_7, %scan3A_8 : i32
    %scan3A_10 = arith.constant 1 : i32
    scf.for %scan3A_25 = %scan3A_7 to %scan3A_9 step %scan3A_10  : i32 {
      %mul3A_26 = arith.constant 80 : i32
      %mul3A_27 = arith.muli %scan3A_25, %mul3A_26 : i32
      %add3A_28 = arith.addi %mul3A_6, %mul3A_27 : i32
      "tpu.region"() ({
        %run_scoped3A = tpu.sem_alloc : memref<!tpu.dma_semaphore, #tpu.memory_space<semaphore_mem>>
        %dma_start3A_33 = tpu.memref_slice %arg3[%add3A_28] : memref<320000xi32, #tpu.memory_space<hbm>> -> memref<80xi32, #tpu.memory_space<hbm>>
        %dma_start3A_34 = tpu.memref_slice %arg3[%add3A_28] : memref<320000xi32, #tpu.memory_space<hbm>> -> memref<80xi32, #tpu.memory_space<hbm>>
        tpu.enqueue_dma source(%dma_start3A_34 : memref<80xi32, #tpu.memory_space<hbm>>) target(%arg7 : memref<80xi32, #tpu.memory_space<vmem>>) target_semaphore(%run_scoped3A : memref<!tpu.dma_semaphore, #tpu.memory_space<semaphore_mem>>)
        %dma_wait3A_35 = tpu.memref_slice %arg3[%add3A_28] : memref<320000xi32, #tpu.memory_space<hbm>> -> memref<80xi32, #tpu.memory_space<hbm>>
        %dma_wait3A_36 = tpu.memref_slice %arg3[%add3A_28] : memref<320000xi32, #tpu.memory_space<hbm>> -> memref<80xi32, #tpu.memory_space<hbm>>
        tpu.wait_dma2 semaphore(%run_scoped3A : memref<!tpu.dma_semaphore, #tpu.memory_space<semaphore_mem>>) src(%dma_wait3A_36 : memref<80xi32, #tpu.memory_space<hbm>>) dst(%arg7 : memref<80xi32, #tpu.memory_space<vmem>>)
        tpu.yield
      }) : () -> ()
      "tpu.region"() ({
        %run_scoped3A = tpu.sem_alloc : memref<!tpu.dma_semaphore, #tpu.memory_space<semaphore_mem>>
        %dma_start3A_33 = tpu.memref_slice %arg4[%add3A_28] : memref<320000xi32, #tpu.memory_space<hbm>> -> memref<80xi32, #tpu.memory_space<hbm>>
        %dma_start3A_34 = tpu.memref_slice %arg4[%add3A_28] : memref<320000xi32, #tpu.memory_space<hbm>> -> memref<80xi32, #tpu.memory_space<hbm>>
        tpu.enqueue_dma source(%dma_start3A_34 : memref<80xi32, #tpu.memory_space<hbm>>) target(%arg8 : memref<80xi32, #tpu.memory_space<vmem>>) target_semaphore(%run_scoped3A : memref<!tpu.dma_semaphore, #tpu.memory_space<semaphore_mem>>)
        %dma_wait3A_35 = tpu.memref_slice %arg4[%add3A_28] : memref<320000xi32, #tpu.memory_space<hbm>> -> memref<80xi32, #tpu.memory_space<hbm>>
        %dma_wait3A_36 = tpu.memref_slice %arg4[%add3A_28] : memref<320000xi32, #tpu.memory_space<hbm>> -> memref<80xi32, #tpu.memory_space<hbm>>
        tpu.wait_dma2 semaphore(%run_scoped3A : memref<!tpu.dma_semaphore, #tpu.memory_space<semaphore_mem>>) src(%dma_wait3A_36 : memref<80xi32, #tpu.memory_space<hbm>>) dst(%arg8 : memref<80xi32, #tpu.memory_space<vmem>>)
        tpu.yield
      }) : () -> ()
      %dma_start3A = arith.constant 0 : i32
      %dma_start3A_29 = arith.constant 0 : i32
      %dma_start3A_30 = tpu.memref_slice %arg2[%dma_start3A, %dma_start3A_29] : memref<10000x32xf32, #tpu.memory_space<hbm>> -> memref<10000x32xf32, #tpu.memory_space<hbm>>
      tpu.enqueue_indirect_dma source(%dma_start3A_30 : memref<10000x32xf32, #tpu.memory_space<hbm>>) target(%arg9 : memref<80x32xf32, #tpu.memory_space<vmem>>) offsets(%arg7 : memref<80xi32, #tpu.memory_space<vmem>>) semaphore(%arg11 : memref<!tpu.dma_semaphore, #tpu.memory_space<semaphore_mem>>)
      %dma_wait3A = arith.constant 0 : i32
      %dma_wait3A_31 = arith.constant 0 : i32
      %dma_wait3A_32 = tpu.memref_slice %arg2[%dma_wait3A, %dma_wait3A_31] : memref<10000x32xf32, #tpu.memory_space<hbm>> -> memref<10000x32xf32, #tpu.memory_space<hbm>>
      tpu.wait_indirect_dma semaphore(%arg11 : memref<!tpu.dma_semaphore, #tpu.memory_space<semaphore_mem>>) src(%dma_wait3A_32 : memref<10000x32xf32, #tpu.memory_space<hbm>>) dst(%arg9 : memref<80x32xf32, #tpu.memory_space<vmem>>)
      "tpu.region"() ({
        %run_scoped3A = tpu.sem_alloc : memref<!tpu.dma_semaphore, #tpu.memory_space<semaphore_mem>>
        %dma_start3A_33 = arith.constant 0 : i32
        %dma_start3A_34 = arith.constant 0 : i32
        %dma_start3A_35 = tpu.memref_slice %arg10[%dma_start3A_33, %dma_start3A_34] : memref<10000x32xf32, #tpu.memory_space<vmem_shared>> -> memref<10000x32xf32, #tpu.memory_space<vmem_shared>>
        tpu.enqueue_indirect_dma source(%arg9 : memref<80x32xf32, #tpu.memory_space<vmem>>) target(%dma_start3A_35 : memref<10000x32xf32, #tpu.memory_space<vmem_shared>>) offsets(%arg8 : memref<80xi32, #tpu.memory_space<vmem>>) semaphore(%run_scoped3A : memref<!tpu.dma_semaphore, #tpu.memory_space<semaphore_mem>>) {add = true}
        %dma_wait3A_36 = arith.constant 0 : i32
        %dma_wait3A_37 = arith.constant 0 : i32
        %dma_wait3A_38 = tpu.memref_slice %arg10[%dma_wait3A_36, %dma_wait3A_37] : memref<10000x32xf32, #tpu.memory_space<vmem_shared>> -> memref<10000x32xf32, #tpu.memory_space<vmem_shared>>
        tpu.wait_indirect_dma semaphore(%run_scoped3A : memref<!tpu.dma_semaphore, #tpu.memory_space<semaphore_mem>>) src(%arg9 : memref<80x32xf32, #tpu.memory_space<vmem>>) dst(%dma_wait3A_38 : memref<10000x32xf32, #tpu.memory_space<vmem_shared>>)
        tpu.yield
      }) : () -> ()
    }
    %scan3A_11 = arith.constant 125 : i32
    %barrier3A_12 = arith.constant 0 : index
    tpu.barrier barrier_id(%barrier3A_12)
    %mul3A_13 = arith.constant 624 : i32
    %mul3A_14 = arith.muli %arg1, %mul3A_13 : i32
    %mul3A_15 = arith.constant 10000 : i32
    %mul3A_16 = arith.muli %arg0, %mul3A_15 : i32
    %mul3A_17 = arith.constant 624 : i32
    %mul3A_18 = arith.muli %arg1, %mul3A_17 : i32
    %add3A_19 = arith.addi %mul3A_16, %mul3A_18 : i32
    "tpu.region"() ({
      %run_scoped3A = tpu.sem_alloc : memref<!tpu.dma_semaphore, #tpu.memory_space<semaphore_mem>>
      %dma_start3A = arith.constant 0 : i32
      %dma_start3A_25 = tpu.memref_slice %arg6[%add3A_19, %dma_start3A] : memref<20000x32xf32, #tpu.memory_space<hbm>> -> memref<624x32xf32, #tpu.memory_space<hbm>>
      %dma_start3A_26 = arith.constant 0 : i32
      %dma_start3A_27 = tpu.memref_slice %arg10[%mul3A_14, %dma_start3A_26] : memref<10000x32xf32, #tpu.memory_space<vmem_shared>> -> memref<624x32xf32, #tpu.memory_space<vmem_shared>>
      tpu.enqueue_dma source(%dma_start3A_27 : memref<624x32xf32, #tpu.memory_space<vmem_shared>>) target(%dma_start3A_25 : memref<624x32xf32, #tpu.memory_space<hbm>>) target_semaphore(%run_scoped3A : memref<!tpu.dma_semaphore, #tpu.memory_space<semaphore_mem>>)
      %dma_wait3A = arith.constant 0 : i32
      %dma_wait3A_28 = tpu.memref_slice %arg6[%add3A_19, %dma_wait3A] : memref<20000x32xf32, #tpu.memory_space<hbm>> -> memref<624x32xf32, #tpu.memory_space<hbm>>
      %dma_wait3A_29 = arith.constant 0 : i32
      %dma_wait3A_30 = tpu.memref_slice %arg10[%mul3A_14, %dma_wait3A_29] : memref<10000x32xf32, #tpu.memory_space<vmem_shared>> -> memref<624x32xf32, #tpu.memory_space<vmem_shared>>
      tpu.wait_dma2 semaphore(%run_scoped3A : memref<!tpu.dma_semaphore, #tpu.memory_space<semaphore_mem>>) src(%dma_wait3A_30 : memref<624x32xf32, #tpu.memory_space<vmem_shared>>) dst(%dma_wait3A_28 : memref<624x32xf32, #tpu.memory_space<hbm>>)
      tpu.yield
    }) : () -> ()
    %eq3A_20 = arith.constant 15 : i32
    %eq3A_21 = arith.cmpi eq, %arg1, %eq3A_20 : i32
    %convert_element_type3A_22 = arith.extui %eq3A_21 : i1 to i32
    %cond3A_23 = arith.constant 0 : i32
    %cond3A_24 = arith.cmpi ne, %convert_element_type3A_22, %cond3A_23 : i32
    scf.if %cond3A_24 {
      %mul3A_25 = arith.constant 10000 : i32
      %mul3A_26 = arith.muli %arg0, %mul3A_25 : i32
      %add3A_27 = arith.constant 9984 : i32
      %add3A_28 = arith.addi %mul3A_26, %add3A_27 : i32
      "tpu.region"() ({
        %run_scoped3A = tpu.sem_alloc : memref<!tpu.dma_semaphore, #tpu.memory_space<semaphore_mem>>
        %dma_start3A = arith.constant 0 : i32
        %dma_start3A_29 = tpu.memref_slice %arg6[%add3A_28, %dma_start3A] : memref<20000x32xf32, #tpu.memory_space<hbm>> -> memref<16x32xf32, #tpu.memory_space<hbm>>
        %dma_start3A_30 = arith.constant 9984 : i32
        %dma_start3A_31 = arith.constant 0 : i32
        %dma_start3A_32 = tpu.memref_slice %arg10[%dma_start3A_30, %dma_start3A_31] : memref<10000x32xf32, #tpu.memory_space<vmem_shared>> -> memref<16x32xf32, #tpu.memory_space<vmem_shared>>
        tpu.enqueue_dma source(%dma_start3A_32 : memref<16x32xf32, #tpu.memory_space<vmem_shared>>) target(%dma_start3A_29 : memref<16x32xf32, #tpu.memory_space<hbm>>) target_semaphore(%run_scoped3A : memref<!tpu.dma_semaphore, #tpu.memory_space<semaphore_mem>>)
        %dma_wait3A = arith.constant 0 : i32
        %dma_wait3A_33 = tpu.memref_slice %arg6[%add3A_28, %dma_wait3A] : memref<20000x32xf32, #tpu.memory_space<hbm>> -> memref<16x32xf32, #tpu.memory_space<hbm>>
        %dma_wait3A_34 = arith.constant 9984 : i32
        %dma_wait3A_35 = arith.constant 0 : i32
        %dma_wait3A_36 = tpu.memref_slice %arg10[%dma_wait3A_34, %dma_wait3A_35] : memref<10000x32xf32, #tpu.memory_space<vmem_shared>> -> memref<16x32xf32, #tpu.memory_space<vmem_shared>>
        tpu.wait_dma2 semaphore(%run_scoped3A : memref<!tpu.dma_semaphore, #tpu.memory_space<semaphore_mem>>) src(%dma_wait3A_36 : memref<16x32xf32, #tpu.memory_space<vmem_shared>>) dst(%dma_wait3A_33 : memref<16x32xf32, #tpu.memory_space<hbm>>)
        tpu.yield
      }) : () -> ()
    } else {
    }
    return
  }
}

module attributes {stable_mosaic.version = 14 : i64} {
  func.func @_tc_pre_body(%arg0: i32, %arg1: memref<2000x128xf32, #tpu.memory_space<vmem>>, %arg2: memref<128x32xf32, #tpu.memory_space<vmem>>, %arg3: memref<128x32xf32, #tpu.memory_space<vmem>>, %arg4: memref<1x32xf32, #tpu.memory_space<vmem>>, %arg5: memref<2000x32xf32, #tpu.memory_space<vmem>>, %arg6: memref<2000x32xf32, #tpu.memory_space<vmem>>) attributes {dimension_semantics = [#tpu.dimension_semantics<arbitrary>], iteration_bounds = array<i64: 5>, scalar_prefetch = 0 : i64, scratch_operands = 0 : i64, tpu.core_type = #tpu.core_type<tc>, window_params = [{transform_indices = @transform_0, window_bounds = array<i64: 2000, 128>}, {pipeline_mode = #tpu.pipeline_mode<synchronous>, transform_indices = @transform_1, window_bounds = array<i64: 128, 32>}, {pipeline_mode = #tpu.pipeline_mode<synchronous>, transform_indices = @transform_2, window_bounds = array<i64: 128, 32>}, {pipeline_mode = #tpu.pipeline_mode<synchronous>, transform_indices = @transform_3, window_bounds = array<i64: 1, 32>}, {transform_indices = @transform_4, window_bounds = array<i64: 2000, 32>}, {transform_indices = @transform_5, window_bounds = array<i64: 2000, 32>}]} {
    %get3A = arith.constant 0 : index
    %get3A_0 = arith.constant 0 : index
    %get3A_1 = vector.load %arg1[%get3A, %get3A_0] : memref<2000x128xf32, #tpu.memory_space<vmem>>, vector<2000x128xf32>
    %get3A_2 = arith.constant 0 : index
    %get3A_3 = arith.constant 0 : index
    %get3A_4 = vector.load %arg2[%get3A_2, %get3A_3] : memref<128x32xf32, #tpu.memory_space<vmem>>, vector<128x32xf32>
    %dot_general3A = arith.constant dense<0.000000e+00> : vector<2000x32xf32>
    %dot_general3A_5 = tpu.matmul %get3A_1, %get3A_4, %dot_general3A {dimension_numbers = #tpu.dot_dimension_numbers<[1], [0], [0], [1], [0, 0, 1, 1], [], []>, transpose_lhs_hint = false} : vector<2000x128xf32>, vector<128x32xf32>, vector<2000x32xf32> -> vector<2000x32xf32>
    %swap3A = arith.constant 0 : index
    %swap3A_6 = arith.constant 0 : index
    %swap3A_7 = vector.load %arg5[%swap3A, %swap3A_6] : memref<2000x32xf32, #tpu.memory_space<vmem>>, vector<2000x32xf32>
    tpu.vector_store %arg5[%swap3A, %swap3A_6], %dot_general3A_5 {strides = array<i32>} : memref<2000x32xf32, #tpu.memory_space<vmem>>, vector<2000x32xf32>,
    %get3A_8 = arith.constant 0 : index
    %get3A_9 = arith.constant 0 : index
    %get3A_10 = vector.load %arg3[%get3A_8, %get3A_9] : memref<128x32xf32, #tpu.memory_space<vmem>>, vector<128x32xf32>
    %dot_general3A_11 = arith.constant dense<0.000000e+00> : vector<2000x32xf32>
    %dot_general3A_12 = tpu.matmul %get3A_1, %get3A_10, %dot_general3A_11 {dimension_numbers = #tpu.dot_dimension_numbers<[1], [0], [0], [1], [0, 0, 1, 1], [], []>, transpose_lhs_hint = false} : vector<2000x128xf32>, vector<128x32xf32>, vector<2000x32xf32> -> vector<2000x32xf32>
    %get3A_13 = arith.constant 0 : index
    %get3A_14 = arith.constant 0 : index
    %get3A_15 = vector.load %arg4[%get3A_13, %get3A_14] : memref<1x32xf32, #tpu.memory_space<vmem>>, vector<1x32xf32>
    %add3A = vector.broadcast %get3A_15 : vector<1x32xf32> to vector<2000x32xf32>
    %add3A_16 = arith.addf %dot_general3A_12, %add3A : vector<2000x32xf32>
    %swap3A_17 = arith.constant 0 : index
    %swap3A_18 = arith.constant 0 : index
    %swap3A_19 = vector.load %arg6[%swap3A_17, %swap3A_18] : memref<2000x32xf32, #tpu.memory_space<vmem>>, vector<2000x32xf32>
    tpu.vector_store %arg6[%swap3A_17, %swap3A_18], %add3A_16 {strides = array<i32>} : memref<2000x32xf32, #tpu.memory_space<vmem>>, vector<2000x32xf32>,
    return
  }
  func.func @transform_0(%arg0: i32) -> (i32, i32) {
    %c0_i32 = arith.constant 0 : i32
    %c0_i32_0 = arith.constant 0 : i32
    return %arg0, %c0_i32 : i32, i32
  }
  func.func @transform_1(%arg0: i32) -> (i32, i32) {
    %c0_i32 = arith.constant 0 : i32
    %c0_i32_0 = arith.constant 0 : i32
    %c0_i32_1 = arith.constant 0 : i32
    return %c0_i32, %c0_i32_0 : i32, i32
  }
  func.func @transform_2(%arg0: i32) -> (i32, i32) {
    %c0_i32 = arith.constant 0 : i32
    %c0_i32_0 = arith.constant 0 : i32
    %c0_i32_1 = arith.constant 0 : i32
    return %c0_i32, %c0_i32_0 : i32, i32
  }
  func.func @transform_3(%arg0: i32) -> (i32, i32) {
    %c0_i32 = arith.constant 0 : i32
    %c0_i32_0 = arith.constant 0 : i32
    %c0_i32_1 = arith.constant 0 : i32
    return %c0_i32, %c0_i32_0 : i32, i32
  }
  func.func @transform_4(%arg0: i32) -> (i32, i32) {
    %c0_i32 = arith.constant 0 : i32
    %c0_i32_0 = arith.constant 0 : i32
    return %arg0, %c0_i32 : i32, i32
  }
  func.func @transform_5(%arg0: i32) -> (i32, i32) {
    %c0_i32 = arith.constant 0 : i32
    %c0_i32_0 = arith.constant 0 : i32
    return %arg0, %c0_i32 : i32, i32
  }
}

module attributes {stable_mosaic.version = 14 : i64} {
  func.func @_tc_mid_body(%arg0: i32, %arg1: memref<2x2000x32xf32, #tpu.memory_space<vmem>>, %arg2: memref<2000x32xf32, #tpu.memory_space<vmem>>, %arg3: memref<32x32xf32, #tpu.memory_space<vmem>>, %arg4: memref<32x32xf32, #tpu.memory_space<vmem>>, %arg5: memref<1x32xf32, #tpu.memory_space<vmem>>, %arg6: memref<2000x32xf32, #tpu.memory_space<vmem>>, %arg7: memref<2000x32xf32, #tpu.memory_space<vmem>>) attributes {dimension_semantics = [#tpu.dimension_semantics<arbitrary>], iteration_bounds = array<i64: 5>, scalar_prefetch = 0 : i64, scratch_operands = 0 : i64, tpu.core_type = #tpu.core_type<tc>, window_params = [{transform_indices = @transform_0, window_bounds = array<i64: 2, 2000, 32>}, {transform_indices = @transform_1, window_bounds = array<i64: 2000, 32>}, {pipeline_mode = #tpu.pipeline_mode<synchronous>, transform_indices = @transform_2, window_bounds = array<i64: 32, 32>}, {pipeline_mode = #tpu.pipeline_mode<synchronous>, transform_indices = @transform_3, window_bounds = array<i64: 32, 32>}, {pipeline_mode = #tpu.pipeline_mode<synchronous>, transform_indices = @transform_4, window_bounds = array<i64: 1, 32>}, {transform_indices = @transform_5, window_bounds = array<i64: 2000, 32>}, {transform_indices = @transform_6, window_bounds = array<i64: 2000, 32>}]} {
    %get3A = arith.constant 0 : index
    %get3A_0 = arith.constant 0 : index
    %get3A_1 = arith.constant 0 : index
    %get3A_2 = vector.load %arg1[%get3A, %get3A_0, %get3A_1] : memref<2x2000x32xf32, #tpu.memory_space<vmem>>, vector<2x2000x32xf32>
    %slice3A = vector.extract_strided_slice %get3A_2 {offsets = [0, 0, 0], sizes = [1, 2000, 32], strides = [1, 1, 1]} : vector<2x2000x32xf32> to vector<1x2000x32xf32>
    %squeeze3A = vector.shape_cast %slice3A : vector<1x2000x32xf32> to vector<2000x32xf32>
    %slice3A_3 = vector.extract_strided_slice %get3A_2 {offsets = [1, 0, 0], sizes = [1, 2000, 32], strides = [1, 1, 1]} : vector<2x2000x32xf32> to vector<1x2000x32xf32>
    %squeeze3A_4 = vector.shape_cast %slice3A_3 : vector<1x2000x32xf32> to vector<2000x32xf32>
    %add3A = arith.addf %squeeze3A, %squeeze3A_4 : vector<2000x32xf32>
    %get3A_5 = arith.constant 0 : index
    %get3A_6 = arith.constant 0 : index
    %get3A_7 = vector.load %arg2[%get3A_5, %get3A_6] : memref<2000x32xf32, #tpu.memory_space<vmem>>, vector<2000x32xf32>
    %add3A_8 = arith.addf %add3A, %get3A_7 : vector<2000x32xf32>
    %gt3A = arith.constant 0.000000e+00 : f32
    %gt3A_9 = vector.broadcast %gt3A : f32 to vector<2000x32xf32>
    %gt3A_10 = arith.cmpf ogt, %add3A_8, %gt3A_9 : vector<2000x32xf32>
    %min3A = arith.constant 0.000000e+00 : f32
    %min3A_11 = vector.broadcast %min3A : f32 to vector<2000x32xf32>
    %min3A_12 = arith.minimumf %add3A_8, %min3A_11 : vector<2000x32xf32>
    %exp3A = math.exp %min3A_12 : vector<2000x32xf32>
    %sub3A = arith.constant 1.000000e+00 : f32
    %sub3A_13 = vector.broadcast %sub3A : f32 to vector<2000x32xf32>
    %sub3A_14 = arith.subf %exp3A, %sub3A_13 : vector<2000x32xf32>
    %select_n3A = arith.select %gt3A_10, %add3A_8, %sub3A_14 : vector<2000x32xi1>, vector<2000x32xf32>
    %get3A_15 = arith.constant 0 : index
    %get3A_16 = arith.constant 0 : index
    %get3A_17 = vector.load %arg3[%get3A_15, %get3A_16] : memref<32x32xf32, #tpu.memory_space<vmem>>, vector<32x32xf32>
    %dot_general3A = arith.constant dense<0.000000e+00> : vector<2000x32xf32>
    %dot_general3A_18 = tpu.matmul %select_n3A, %get3A_17, %dot_general3A {dimension_numbers = #tpu.dot_dimension_numbers<[1], [0], [0], [1], [0, 0, 1, 1], [], []>, transpose_lhs_hint = false} : vector<2000x32xf32>, vector<32x32xf32>, vector<2000x32xf32> -> vector<2000x32xf32>
    %swap3A = arith.constant 0 : index
    %swap3A_19 = arith.constant 0 : index
    %swap3A_20 = vector.load %arg6[%swap3A, %swap3A_19] : memref<2000x32xf32, #tpu.memory_space<vmem>>, vector<2000x32xf32>
    tpu.vector_store %arg6[%swap3A, %swap3A_19], %dot_general3A_18 {strides = array<i32>} : memref<2000x32xf32, #tpu.memory_space<vmem>>, vector<2000x32xf32>,
    %get3A_21 = arith.constant 0 : index
    %get3A_22 = arith.constant 0 : index
    %get3A_23 = vector.load %arg4[%get3A_21, %get3A_22] : memref<32x32xf32, #tpu.memory_space<vmem>>, vector<32x32xf32>
    %dot_general3A_24 = arith.constant dense<0.000000e+00> : vector<2000x32xf32>
    %dot_general3A_25 = tpu.matmul %select_n3A, %get3A_23, %dot_general3A_24 {dimension_numbers = #tpu.dot_dimension_numbers<[1], [0], [0], [1], [0, 0, 1, 1], [], []>, transpose_lhs_hint = false} : vector<2000x32xf32>, vector<32x32xf32>, vector<2000x32xf32> -> vector<2000x32xf32>
    %get3A_26 = arith.constant 0 : index
    %get3A_27 = arith.constant 0 : index
    %get3A_28 = vector.load %arg5[%get3A_26, %get3A_27] : memref<1x32xf32, #tpu.memory_space<vmem>>, vector<1x32xf32>
    %add3A_29 = vector.broadcast %get3A_28 : vector<1x32xf32> to vector<2000x32xf32>
    %add3A_30 = arith.addf %dot_general3A_25, %add3A_29 : vector<2000x32xf32>
    %swap3A_31 = arith.constant 0 : index
    %swap3A_32 = arith.constant 0 : index
    %swap3A_33 = vector.load %arg7[%swap3A_31, %swap3A_32] : memref<2000x32xf32, #tpu.memory_space<vmem>>, vector<2000x32xf32>
    tpu.vector_store %arg7[%swap3A_31, %swap3A_32], %add3A_30 {strides = array<i32>} : memref<2000x32xf32, #tpu.memory_space<vmem>>, vector<2000x32xf32>,
    return
  }
  func.func @transform_0(%arg0: i32) -> (i32, i32, i32) {
    %c0_i32 = arith.constant 0 : i32
    %c0_i32_0 = arith.constant 0 : i32
    %c0_i32_1 = arith.constant 0 : i32
    return %c0_i32, %arg0, %c0_i32_0 : i32, i32, i32
  }
  func.func @transform_1(%arg0: i32) -> (i32, i32) {
    %c0_i32 = arith.constant 0 : i32
    %c0_i32_0 = arith.constant 0 : i32
    return %arg0, %c0_i32 : i32, i32
  }
  func.func @transform_2(%arg0: i32) -> (i32, i32) {
    %c0_i32 = arith.constant 0 : i32
    %c0_i32_0 = arith.constant 0 : i32
    %c0_i32_1 = arith.constant 0 : i32
    return %c0_i32, %c0_i32_0 : i32, i32
  }
  func.func @transform_3(%arg0: i32) -> (i32, i32) {
    %c0_i32 = arith.constant 0 : i32
    %c0_i32_0 = arith.constant 0 : i32
    %c0_i32_1 = arith.constant 0 : i32
    return %c0_i32, %c0_i32_0 : i32, i32
  }
  func.func @transform_4(%arg0: i32) -> (i32, i32) {
    %c0_i32 = arith.constant 0 : i32
    %c0_i32_0 = arith.constant 0 : i32
    %c0_i32_1 = arith.constant 0 : i32
    return %c0_i32, %c0_i32_0 : i32, i32
  }
  func.func @transform_5(%arg0: i32) -> (i32, i32) {
    %c0_i32 = arith.constant 0 : i32
    %c0_i32_0 = arith.constant 0 : i32
    return %arg0, %c0_i32 : i32, i32
  }
  func.func @transform_6(%arg0: i32) -> (i32, i32) {
    %c0_i32 = arith.constant 0 : i32
    %c0_i32_0 = arith.constant 0 : i32
    return %arg0, %c0_i32 : i32, i32
  }
}

module attributes {stable_mosaic.version = 14 : i64} {
  func.func @_tc_pool_body(%arg0: i32, %arg1: memref<2x2000x32xf32, #tpu.memory_space<vmem>>, %arg2: memref<2000x32xf32, #tpu.memory_space<vmem>>, %arg3: memref<1x1x2000xi32, #tpu.memory_space<vmem>>, %arg4: memref<64x32xf32, #tpu.memory_space<vmem>>, %arg5: memref<64x1xf32, #tpu.memory_space<vmem>>) attributes {dimension_semantics = [#tpu.dimension_semantics<arbitrary>], iteration_bounds = array<i64: 5>, scalar_prefetch = 0 : i64, scratch_operands = 0 : i64, tpu.core_type = #tpu.core_type<tc>, window_params = [{transform_indices = @transform_0, window_bounds = array<i64: 2, 2000, 32>}, {transform_indices = @transform_1, window_bounds = array<i64: 2000, 32>}, {transform_indices = @transform_2, window_bounds = array<i64: 1, 1, 2000>}, {pipeline_mode = #tpu.pipeline_mode<synchronous>, transform_indices = @transform_3, window_bounds = array<i64: 64, 32>}, {pipeline_mode = #tpu.pipeline_mode<synchronous>, transform_indices = @transform_4, window_bounds = array<i64: 64, 1>}]} {
    %get3A = arith.constant 0 : index
    %get3A_0 = arith.constant 0 : index
    %get3A_1 = arith.constant 0 : index
    %get3A_2 = vector.load %arg1[%get3A, %get3A_0, %get3A_1] : memref<2x2000x32xf32, #tpu.memory_space<vmem>>, vector<2x2000x32xf32>
    %slice3A = vector.extract_strided_slice %get3A_2 {offsets = [0, 0, 0], sizes = [1, 2000, 32], strides = [1, 1, 1]} : vector<2x2000x32xf32> to vector<1x2000x32xf32>
    %squeeze3A = vector.shape_cast %slice3A : vector<1x2000x32xf32> to vector<2000x32xf32>
    %slice3A_3 = vector.extract_strided_slice %get3A_2 {offsets = [1, 0, 0], sizes = [1, 2000, 32], strides = [1, 1, 1]} : vector<2x2000x32xf32> to vector<1x2000x32xf32>
    %squeeze3A_4 = vector.shape_cast %slice3A_3 : vector<1x2000x32xf32> to vector<2000x32xf32>
    %add3A = arith.addf %squeeze3A, %squeeze3A_4 : vector<2000x32xf32>
    %get3A_5 = arith.constant 0 : index
    %get3A_6 = arith.constant 0 : index
    %get3A_7 = vector.load %arg2[%get3A_5, %get3A_6] : memref<2000x32xf32, #tpu.memory_space<vmem>>, vector<2000x32xf32>
    %add3A_8 = arith.addf %add3A, %get3A_7 : vector<2000x32xf32>
    %gt3A = arith.constant 0.000000e+00 : f32
    %gt3A_9 = vector.broadcast %gt3A : f32 to vector<2000x32xf32>
    %gt3A_10 = arith.cmpf ogt, %add3A_8, %gt3A_9 : vector<2000x32xf32>
    %min3A = arith.constant 0.000000e+00 : f32
    %min3A_11 = vector.broadcast %min3A : f32 to vector<2000x32xf32>
    %min3A_12 = arith.minimumf %add3A_8, %min3A_11 : vector<2000x32xf32>
    %exp3A = math.exp %min3A_12 : vector<2000x32xf32>
    %sub3A = arith.constant 1.000000e+00 : f32
    %sub3A_13 = vector.broadcast %sub3A : f32 to vector<2000x32xf32>
    %sub3A_14 = arith.subf %exp3A, %sub3A_13 : vector<2000x32xf32>
    %select_n3A = arith.select %gt3A_10, %add3A_8, %sub3A_14 : vector<2000x32xi1>, vector<2000x32xf32>
    %iota3A = tpu.iota {dimensions = array<i32: 0>} : vector<64x2000xi32>
    %get3A_15 = arith.constant 0 : index
    %get3A_16 = arith.constant 0 : index
    %get3A_17 = arith.constant 0 : index
    %get3A_18 = vector.load %arg3[%get3A_15, %get3A_16, %get3A_17] : memref<1x1x2000xi32, #tpu.memory_space<vmem>>, vector<1x1x2000xi32>
    %get3A_19 = vector.shape_cast %get3A_18 : vector<1x1x2000xi32> to vector<1x2000xi32>
    %eq3A = vector.broadcast %get3A_19 : vector<1x2000xi32> to vector<64x2000xi32>
    %eq3A_20 = arith.cmpi eq, %iota3A, %eq3A : vector<64x2000xi32>
    %convert_element_type3A = arith.extui %eq3A_20 : vector<64x2000xi1> to vector<64x2000xi32>
    %convert_element_type3A_21 = arith.sitofp %convert_element_type3A : vector<64x2000xi32> to vector<64x2000xf32>
    %eq3A_22 = arith.constant 0 : i32
    %eq3A_23 = arith.cmpi eq, %arg0, %eq3A_22 : i32
    %convert_element_type3A_24 = arith.extui %eq3A_23 : i1 to i32
    %cond3A = arith.constant 0 : i32
    %cond3A_25 = arith.cmpi ne, %convert_element_type3A_24, %cond3A : i32
    scf.if %cond3A_25 {
      %broadcast_in_dim3A_41 = arith.constant 0.000000e+00 : f32
      %broadcast_in_dim3A_42 = vector.broadcast %broadcast_in_dim3A_41 : f32 to vector<64x32xf32>
      %swap3A_43 = arith.constant 0 : index
      %swap3A_44 = arith.constant 0 : index
      %swap3A_45 = vector.load %arg4[%swap3A_43, %swap3A_44] : memref<64x32xf32, #tpu.memory_space<vmem>>, vector<64x32xf32>
      tpu.vector_store %arg4[%swap3A_43, %swap3A_44], %broadcast_in_dim3A_42 {strides = array<i32>} : memref<64x32xf32, #tpu.memory_space<vmem>>, vector<64x32xf32>,
      %broadcast_in_dim3A_46 = arith.constant 0.000000e+00 : f32
      %broadcast_in_dim3A_47 = vector.broadcast %broadcast_in_dim3A_46 : f32 to vector<64x1xf32>
      %swap3A_48 = arith.constant 0 : index
      %swap3A_49 = arith.constant 0 : index
      %swap3A_50 = vector.load %arg5[%swap3A_48, %swap3A_49] : memref<64x1xf32, #tpu.memory_space<vmem>>, vector<64x1xf32>
      tpu.vector_store %arg5[%swap3A_48, %swap3A_49], %broadcast_in_dim3A_47 {strides = array<i32>} : memref<64x1xf32, #tpu.memory_space<vmem>>, vector<64x1xf32>,
    } else {
    }
    %get3A_26 = arith.constant 0 : index
    %get3A_27 = arith.constant 0 : index
    %get3A_28 = vector.load %arg4[%get3A_26, %get3A_27] : memref<64x32xf32, #tpu.memory_space<vmem>>, vector<64x32xf32>
    %dot_general3A = arith.constant dense<0.000000e+00> : vector<64x32xf32>
    %dot_general3A_29 = tpu.matmul %convert_element_type3A_21, %select_n3A, %dot_general3A {dimension_numbers = #tpu.dot_dimension_numbers<[1], [0], [0], [1], [0, 0, 1, 1], [], []>, transpose_lhs_hint = false} : vector<64x2000xf32>, vector<2000x32xf32>, vector<64x32xf32> -> vector<64x32xf32>
    %add3A_30 = arith.addf %get3A_28, %dot_general3A_29 : vector<64x32xf32>
    %swap3A = arith.constant 0 : index
    %swap3A_31 = arith.constant 0 : index
    %swap3A_32 = vector.load %arg4[%swap3A, %swap3A_31] : memref<64x32xf32, #tpu.memory_space<vmem>>, vector<64x32xf32>
    tpu.vector_store %arg4[%swap3A, %swap3A_31], %add3A_30 {strides = array<i32>} : memref<64x32xf32, #tpu.memory_space<vmem>>, vector<64x32xf32>,
    %get3A_33 = arith.constant 0 : index
    %get3A_34 = arith.constant 0 : index
    %get3A_35 = vector.load %arg5[%get3A_33, %get3A_34] : memref<64x1xf32, #tpu.memory_space<vmem>>, vector<64x1xf32>
    %reduce_sum3A = arith.constant dense<0.000000e+00> : vector<64xf32>
    %reduce_sum3A_36 = vector.multi_reduction <add>, %convert_element_type3A_21, %reduce_sum3A [1] : vector<64x2000xf32> to vector<64xf32>
    %broadcast_in_dim3A = vector.shape_cast %reduce_sum3A_36 : vector<64xf32> to vector<64x1xf32>
    %add3A_37 = arith.addf %get3A_35, %broadcast_in_dim3A : vector<64x1xf32>
    %swap3A_38 = arith.constant 0 : index
    %swap3A_39 = arith.constant 0 : index
    %swap3A_40 = vector.load %arg5[%swap3A_38, %swap3A_39] : memref<64x1xf32, #tpu.memory_space<vmem>>, vector<64x1xf32>
    tpu.vector_store %arg5[%swap3A_38, %swap3A_39], %add3A_37 {strides = array<i32>} : memref<64x1xf32, #tpu.memory_space<vmem>>, vector<64x1xf32>,
    return
  }
  func.func @transform_0(%arg0: i32) -> (i32, i32, i32) {
    %c0_i32 = arith.constant 0 : i32
    %c0_i32_0 = arith.constant 0 : i32
    %c0_i32_1 = arith.constant 0 : i32
    return %c0_i32, %arg0, %c0_i32_0 : i32, i32, i32
  }
  func.func @transform_1(%arg0: i32) -> (i32, i32) {
    %c0_i32 = arith.constant 0 : i32
    %c0_i32_0 = arith.constant 0 : i32
    return %arg0, %c0_i32 : i32, i32
  }
  func.func @transform_2(%arg0: i32) -> (i32, i32, i32) {
    %c0_i32 = arith.constant 0 : i32
    %c0_i32_0 = arith.constant 0 : i32
    %c0_i32_1 = arith.constant 0 : i32
    return %arg0, %c0_i32, %c0_i32_0 : i32, i32, i32
  }
  func.func @transform_3(%arg0: i32) -> (i32, i32) {
    %c0_i32 = arith.constant 0 : i32
    %c0_i32_0 = arith.constant 0 : i32
    %c0_i32_1 = arith.constant 0 : i32
    return %c0_i32, %c0_i32_0 : i32, i32
  }
  func.func @transform_4(%arg0: i32) -> (i32, i32) {
    %c0_i32 = arith.constant 0 : i32
    %c0_i32_0 = arith.constant 0 : i32
    %c0_i32_1 = arith.constant 0 : i32
    return %c0_i32, %c0_i32_0 : i32, i32
  }
}

module attributes {stable_mosaic.version = 14 : i64} {
  func.func @_tc_head_body(%arg0: memref<64x32xf32, #tpu.memory_space<vmem>>, %arg1: memref<64x1xf32, #tpu.memory_space<vmem>>, %arg2: memref<32x2xf32, #tpu.memory_space<vmem>>, %arg3: memref<1x2xf32, #tpu.memory_space<vmem>>, %arg4: memref<64x2xf32, #tpu.memory_space<vmem>>) attributes {dimension_semantics = [], scalar_prefetch = 0 : i64, scratch_operands = 0 : i64, tpu.core_type = #tpu.core_type<tc>} {
    %get3A = arith.constant 0 : index
    %get3A_0 = arith.constant 0 : index
    %get3A_1 = vector.load %arg0[%get3A, %get3A_0] : memref<64x32xf32, #tpu.memory_space<vmem>>, vector<64x32xf32>
    %get3A_2 = arith.constant 0 : index
    %get3A_3 = arith.constant 0 : index
    %get3A_4 = vector.load %arg1[%get3A_2, %get3A_3] : memref<64x1xf32, #tpu.memory_space<vmem>>, vector<64x1xf32>
    %max3A = arith.constant 1.000000e+00 : f32
    %max3A_5 = vector.broadcast %max3A : f32 to vector<64x1xf32>
    %max3A_6 = arith.maximumf %get3A_4, %max3A_5 : vector<64x1xf32>
    %div3A = vector.broadcast %max3A_6 : vector<64x1xf32> to vector<64x32xf32>
    %div3A_7 = arith.divf %get3A_1, %div3A : vector<64x32xf32>
    %get3A_8 = arith.constant 0 : index
    %get3A_9 = arith.constant 0 : index
    %get3A_10 = vector.load %arg2[%get3A_8, %get3A_9] : memref<32x2xf32, #tpu.memory_space<vmem>>, vector<32x2xf32>
    %dot_general3A = arith.constant dense<0.000000e+00> : vector<64x2xf32>
    %dot_general3A_11 = tpu.matmul %div3A_7, %get3A_10, %dot_general3A {dimension_numbers = #tpu.dot_dimension_numbers<[1], [0], [0], [1], [0, 0, 1, 1], [], []>, transpose_lhs_hint = false} : vector<64x32xf32>, vector<32x2xf32>, vector<64x2xf32> -> vector<64x2xf32>
    %get3A_12 = arith.constant 0 : index
    %get3A_13 = arith.constant 0 : index
    %get3A_14 = vector.load %arg3[%get3A_12, %get3A_13] : memref<1x2xf32, #tpu.memory_space<vmem>>, vector<1x2xf32>
    %add3A = vector.broadcast %get3A_14 : vector<1x2xf32> to vector<64x2xf32>
    %add3A_15 = arith.addf %dot_general3A_11, %add3A : vector<64x2xf32>
    %reduce_max3A = arith.constant dense<0xFF800000> : vector<64xf32>
    %reduce_max3A_16 = vector.multi_reduction <maximumf>, %add3A_15, %reduce_max3A [1] : vector<64x2xf32> to vector<64xf32>
    %broadcast_in_dim3A = vector.shape_cast %reduce_max3A_16 : vector<64xf32> to vector<64x1xf32>
    %sub3A = vector.broadcast %broadcast_in_dim3A : vector<64x1xf32> to vector<64x2xf32>
    %sub3A_17 = arith.subf %add3A_15, %sub3A : vector<64x2xf32>
    %exp3A = math.exp %sub3A_17 : vector<64x2xf32>
    %reduce_sum3A = arith.constant dense<0.000000e+00> : vector<64xf32>
    %reduce_sum3A_18 = vector.multi_reduction <add>, %exp3A, %reduce_sum3A [1] : vector<64x2xf32> to vector<64xf32>
    %broadcast_in_dim3A_19 = vector.shape_cast %reduce_sum3A_18 : vector<64xf32> to vector<64x1xf32>
    %log3A = math.log %broadcast_in_dim3A_19 : vector<64x1xf32>
    %add3A_20 = arith.addf %broadcast_in_dim3A, %log3A : vector<64x1xf32>
    %sub3A_21 = vector.broadcast %add3A_20 : vector<64x1xf32> to vector<64x2xf32>
    %sub3A_22 = arith.subf %add3A_15, %sub3A_21 : vector<64x2xf32>
    %swap3A = arith.constant 0 : index
    %swap3A_23 = arith.constant 0 : index
    %swap3A_24 = vector.load %arg4[%swap3A, %swap3A_23] : memref<64x2xf32, #tpu.memory_space<vmem>>, vector<64x2xf32>
    tpu.vector_store %arg4[%swap3A, %swap3A_23], %sub3A_22 {strides = array<i32>} : memref<64x2xf32, #tpu.memory_space<vmem>>, vector<64x2xf32>,
    return
  }
}

</mosaic_0001>

<sc_bundles>
// kernel: kernel.10.cloned.1.call-start
scs
__scs_entry_jumppad:
0x0: {  	(pc) =	sbr.rel $0x88, $3  }
0x1: {  	(tag) =	ssettag $0x0;
	lr =	simm.s32 $0x1  }
0x2: {  	[smem:$0x3F90] =	sst lr;
	_ =	strace $0xD0000000  }
0x3: {  	_ = 	snop  }
0x4: {  	_ = 	snop  }
0x5: {  	_ = 	snop  }
0x6: {  	_ = 	snop  }
0x7: {  	_ = 	snop  }
__scs_overlays_trampoline_lowered:
0x8: {  	[smem:$0x3F9F] =	sst s0  }
0x9: {  	[smem:$0x3FA0] =	sst s1  }
0xa: {  	[smem:$0x3FA1] =	sst s2  }
0xb: {  	[smem:$0x3FA2] =	sst s3  }
0xc: {  	[smem:$0x3FA3] =	sst s4  }
0xd: {  	[smem:$0x3FA4] =	sst s5  }
0xe: {  	[smem:$0x3FA5] =	sst s6  }
0xf: {  	[smem:$0x3FA6] =	sst s7  }
0x10: {  	[smem:$0x3FA7] =	sst s8  }
0x11: {  	[smem:$0x3FA8] =	sst s9;
	s0 =	simm.s32 @!p0 $0x0  }
0x12: {  	s1 =	sld [smem:$0x3F8E];
	s0 =	simm.s32 @p0 $0x1  }
0x13: {  	[smem:$0x3FA9] =	sst s0;
	s0 =	simm.s32 @!p1 $0x0  }
0x14: {  	s2 =	sld [smem:$0x3F8D];
	s0 =	simm.s32 @p1 $0x1  }
0x15: {  	[smem:$0x3FAA] =	sst s0;
	s0 =	simm.s32 @!p2 $0x0  }
0x16: {  	s3 =	sld [smem:$0x3FDB];
	s0 =	simm.s32 @p2 $0x1  }
0x17: {  	s4 =	simm.s32 $0x1BF5;
	[smem:$0x3FAC] =	sst s0  }
0x18: {  	s0 =	sld [smem:$0x3F8F];
	_ =	swait.ge [sflag:s4], $0x0  }
0x19: {  	s7 =	sld [smem:$0x3F90]  }
0x1a: {  	s8 =	sadd.s32 $0xFFFFE003, lr  }
0x1b: {  	s9 =	sadd.s32 $0xFFFFFEF7, lr;
	s5 =	simm.s32 $0xFFFFFFFF;
	p2 =	slt.u32 s8, $0xFFFFF086  }
0x1c: {  	p1 =	slt.u32 s9, $0xF7A;
	s5 =	simm.s32 @!p2 $0x0  }
0x1d: {  	s5 =	simm.s32 @p1 $0x1;
	p0 =	seq.s32 s7, s2  }
0x1e: {  	s7 =	smul.u32 @!p0 $0xF7A, s2;
	p2 =	seq.s32 @!p0 s5, $0x0  }
0x1f: {  	s9 =	smul.u32 $0xF7A, s1;
	s8 =	simm.s32 @!p0 $0x1BF5;
	p2 =	por !p2, p0  }
0x20: {  	[sflag:s8] =	ssyncset.s32 @!p0 $0xFFFFF086;
	s6 =	sadd.s32 @!p0 s3, s7;
	s7 =	simm.s32 @!p0 $0x108  }
0x21: {  	s3 =	sadd.s32 s3, s9;
	s6 =	sadd.s32 @!p0 $0x88, s6;
	s7 =	simm.s32 @p2 $0x1082  }
0x22: {  	[simem:s7], [sflag:s8] =	dma.local @!p0 [hbm:s6], $0xF7A  }
0x23: {  	s9 =	sor.u32 $0xD0000000, s2;
	s6 =	simm.s32 $0x108;
	_ =	swait.ge @!p0 [sflag:s8], $0x0  }
0x24: {  	s3 =	sadd.s32 $0x88, s3;
	s6 =	simm.s32 @!p1 $0x1082;
	[sflag:s4] =	ssyncset.s32 $0xFFFFF086  }
0x25: {  	[simem:s6], [sflag:s4] =	dma.local [hbm:s3], $0xF7A  }
0x26: {  	[smem:$0x3F90] =	sst s1;
	(tag) =	ssettag s2;
	_ =	strace s9  }
0x27: {  	s1 =	sld [smem:$0x3FA0]  }
0x28: {  	s2 =	sld [smem:$0x3FA1]  }
0x29: {  	s4 =	sld [smem:$0x3FA3]  }
0x2a: {  	p0 =	seq.s32 s5, $0x0;
	s5 =	sld [smem:$0x3FA4]  }
0x2b: {  	s6 =	sld [smem:$0x3FA5]  }
0x2c: {  	s7 =	sld [smem:$0x3FA6]  }
0x2d: {  	s3 =	simm.s32 $0x108;
	s8 =	sld [smem:$0x3FA7]  }
0x2e: {  	s3 =	simm.s32 @!p0 $0x1082;
	s9 =	sld [smem:$0x3FA8]  }
0x2f: {  	lr =	sadd.s32 s0, s3;
	s0 =	sld [smem:$0x3F9F]  }
0x30: {  	s3 =	sld [smem:$0x3FA2]  }
0x31: {  	[smem:$0x3FAB] =	sst s10  }
0x32: {  	s10 =	sld [smem:$0x3FA9];
	_ =	sdelay $0x3  }
0x33: {  	p0 =	seq.s32 s10, $0x1;
	s10 =	sld [smem:$0x3FAB];
	_ =	sdelay $0x3  }
0x34: {  	[smem:$0x3FAB] =	sst s10  }
0x35: {  	s10 =	sld [smem:$0x3FAA];
	_ =	sdelay $0x3  }
0x36: {  	p1 =	seq.s32 s10, $0x1;
	s10 =	sld [smem:$0x3FAB];
	_ =	sdelay $0x3  }
0x37: {  	[smem:$0x3FAB] =	sst s10  }
0x38: {  	s10 =	sld [smem:$0x3FAC]  }
0x39: {  	_ = 	snop;
	(pc) =	sbr.ind lr, $3  }
0x3a: {  	_ = 	snop  }
0x3b: {  	_ = 	snop  }
0x3c: {  	p2 =	seq.s32 s10, $0x1;
	s10 =	sld [smem:$0x3FAB]  }
0x3d: {  	_ =	shalt  }
0x3e: {  	_ =	shalt  }
0x3f: {  	_ =	shalt  }
0x40: {  	_ =	shalt  }
0x41: {  	_ =	shalt  }
0x42: {  	_ =	shalt  }
0x43: {  	_ =	shalt  }
0x44: {  	_ =	shalt  }
0x45: {  	_ =	shalt  }
0x46: {  	_ =	shalt  }
0x47: {  	_ =	shalt  }
0x48: {  	_ =	shalt  }
0x49: {  	_ =	shalt  }
0x4a: {  	_ =	shalt  }
0x4b: {  	_ =	shalt  }
0x4c: {  	_ =	shalt  }
0x4d: {  	_ =	shalt  }
0x4e: {  	_ =	shalt  }
0x4f: {  	_ =	shalt  }
0x50: {  	_ =	shalt  }
0x51: {  	_ =	shalt  }
0x52: {  	_ =	shalt  }
0x53: {  	_ =	shalt  }
0x54: {  	_ =	shalt  }
0x55: {  	_ =	shalt  }
0x56: {  	_ =	shalt  }
0x57: {  	_ =	shalt  }
0x58: {  	_ =	shalt  }
0x59: {  	_ =	shalt  }
0x5a: {  	_ =	shalt  }
0x5b: {  	_ =	shalt  }
0x5c: {  	_ =	shalt  }
0x5d: {  	_ =	shalt  }
0x5e: {  	_ =	shalt  }
0x5f: {  	_ =	shalt  }
0x60: {  	_ =	shalt  }
0x61: {  	_ =	shalt  }
0x62: {  	_ =	shalt  }
0x63: {  	_ =	shalt  }
0x64: {  	_ =	shalt  }
0x65: {  	_ =	shalt  }
0x66: {  	_ =	shalt  }
0x67: {  	_ =	shalt  }
0x68: {  	_ =	shalt  }
0x69: {  	_ =	shalt  }
0x6a: {  	_ =	shalt  }
0x6b: {  	_ =	shalt  }
0x6c: {  	_ =	shalt  }
0x6d: {  	_ =	shalt  }
0x6e: {  	_ =	shalt  }
0x6f: {  	_ =	shalt  }
0x70: {  	_ =	shalt  }
0x71: {  	_ =	shalt  }
0x72: {  	_ =	shalt  }
0x73: {  	_ =	shalt  }
0x74: {  	_ =	shalt  }
0x75: {  	_ =	shalt  }
0x76: {  	_ =	shalt  }
0x77: {  	_ =	shalt  }
0x78: {  	_ =	shalt  }
0x79: {  	_ =	shalt  }
0x7a: {  	_ =	shalt  }
0x7b: {  	_ =	shalt  }
0x7c: {  	_ =	shalt  }
0x7d: {  	_ =	shalt  }
0x7e: {  	_ =	shalt  }
0x7f: {  	_ =	shalt  }
0x80: {  	_ =	shalt  }
0x81: {  	_ =	shalt  }
0x82: {  	_ =	shalt  }
0x83: {  	_ =	shalt  }
0x84: {  	_ =	shalt  }
0x85: {  	_ =	shalt  }
0x86: {  	_ =	shalt  }
0x87: {  	_ =	shalt  }
.Lfunc_end0:
.L_simem_size_0:
called_computation_lowered:
.L_overlay_start_0:
0x88: {  	s2 =	sld [smem:$0x3FD9]  }
0x89: {  	s3 =	sld [smem:$0x3FFE];
	_ =	sdelay $0x1  }
0x8a: {  	s1 =	srdreg.scid  }
0x8b: {  	s0 =	sand.u32 $0x1, s1  }
0x8c: {  	s16 =	sshll.u32 s0, $0xA;
	s2 =	sadd.s32 s3, s2  }
0x8d: {  	s2 =	sadd.s32 s2, s16  }
0x8e: {  	[smem:$0x3FB7] =	sst s2  }
0x8f: {  	_ = 	snop  }
0x90: {  	(tm) =	ssettm $0x1  }
0x91: {  	s17 =	sld [smem:$0x3FFB];
	_ =	sdelay $0x3  }
0x92: {  	_ =	strace s17  }
0x93: {  	s2 =	sld [smem:$0x3FFC];
	_ =	sdelay $0x3  }
0x94: {  	_ =	strace s2  }
0x95: {  	s2 =	sld [smem:$0x3FFD];
	_ =	sdelay $0x3  }
0x96: {  	_ =	strace s2  }
0x97: {  	_ =	strace $0x8FFFFFFF  }
0x98: {  	s18 =	sld [smem:$0x3FDB];
	_ =	sdelay $0x1  }
0x99: {  	s19 =	simm.s32 $_scs_section_size  }
0x9a: {  	s4 =	simm.s32 $_size__tile_overlayer_lowered;
	s5 =	simm.s32 $_tile_overlayer_lowered  }
0x9b: {  	s22 =	simm.s32 $0x1BFF;
	s21 =	sshll.u32 s5, $0x1;
	s2 =	sadd.s32 s19, s18  }
0x9c: {  	s6 =	simm.s32 $0x0;
	s20 =	sshll.u32 s4, $0x1;
	s4 =	sadd.s32 s21, s2  }
0x9d: {  	[timem:s6], [sflag:s22] =	dma.local [hbm:s4], s20  }
0x9e: {  	_ =	swait.ge [sflag:s22], s20  }
0x9f: {  	s3 =	ssub.s32 $0x0, s20;
	[sflag:s22] =	ssyncset.done $0x0  }
0xa0: {  	[sflag:s22] =	ssyncadd.s32 s3;
	_ =	sdelay $0x1  }
0xa1: {  	s23 =	simm.s32 $0x1B8B  }
0xa2: {  	_ =	swait.ge [sflag:s23], $0x1  }
0xa3: {  	[sflag:s23] =	ssyncset.done $0x0  }
0xa4: {  	s25 =	simm.s32 $0x1B8E;
	s24 =	sld [smem:$0x3FFE];
	[sflag:s23] =	ssyncadd.s32 $0xFFFFFFFF  }
0xa5: {  	s26 =	simm.s32 $execute0_lowered;
	[smem:$0x3FD2] =	sst s25  }
0xa6: {  	s4 =	sshll.u32 s26, $0x1;
	_ =	strace $0x80000046;
	[dreg:$0x1] =	wrdreg $0xFFFFFFFF  }
0xa7: {  	s28 =	simm.s32 $_size_execute0_lowered;
	s2 =	sadd.s32 s2, s4;
	[dreg:$0x0] =	wrdreg $0x0  }
0xa8: {  	s4 =	sshll.u32 s28, $0x1;
	[dreg:$0x2] =	wrdreg s2  }
0xa9: {  	[dreg:$0x3] =	wrdreg s4  }
0xaa: {  	[dreg:$0x4] =	wrdreg $0xC0  }
0xab: {  	_ =	task [dreg:s6], $0x5FFFF  }
0xac: {  	[dreg:$0x1] =	wrdreg $0xFFFFFFFF  }
0xad: {  	[dreg:$0x0] =	wrdreg $0x60  }
0xae: {  	[dreg:$0x2] =	wrdreg s24  }
0xaf: {  	[dreg:$0x3] =	wrdreg $0xAA00  }
0xb0: {  	[dreg:$0x4] =	wrdreg $0x9  }
0xb1: {  	_ =	task.clear_ibuf [dreg:s6], $0x5FFFF;
	_ =	strace $0x90000046  }
0xb2: {  	s29 =	simm.s32 $0x9;
	_ =	strace $0x80000048  }
0xb3: {  	_ =	swait.ge [sflag:s29], $0x1  }
0xb4: {  	[sflag:s29] =	ssyncadd.s32 $0xFFFFFFFF  }
0xb5: {  	_ =	strace $0x90000048  }
0xb6: {  	_ =	sfence  }
0xb7: {  	s30 =	sld [smem:$0x0];
	_ =	sdelay $0x2  }
0xb8: {  	s31 =	sshll.u32 s1, $0xD;
	s1 =	sshrl.u32 s1, $0x2  }
0xb9: {  	s3 =	sand.u32 $0x4000, s31;
	s1 =	sadd.s32 s1, s30  }
0xba: {  	s0 =	sor.u32 s3, s0;
	s1 =	sshll.u32 s1, $0x11  }
0xbb: {  	s0 =	sor.u32 s1, s0  }
0xbc: {  	s0 =	sadd.s32 $0x8F2B, s0  }
0xbd: {  	[sflag:s0] =	ssyncadd.remote.s32 $0x1  }
0xbe: {  	_ =	sfence.sel $0xFFFF  }
0xbf: {  	[dreg:$0x0] =	wrdreg $0xFFFFFFFF;
	(pc) =	sbr.abs _section_cstart, $3  }
0xc0: {  	[dreg:$0x1] =	wrdreg $0xFFFFFFFF  }
0xc1: {  	_ =	task.clear_ibuf [dreg:s6], $0x2FFFF;
	_ =	strace $0x9FFFFFFF  }
0xc2: {  	(tm) =	ssettm $0x7FFFFFFF  }
0xc3: {  	_ =	shalt  }
tec
execute0_lowered:
.L_overlay_start_1:
0x0: {  	(tag) =	ssettag $0x1  }
0x1: {  	s6 =	rddreg [dreg:$0x0]  }
0x2: {  	s0 =	srdreg.scid;
	s2 =	rddreg [dreg:$0x1]  }
0x3: {  	s1 =	stileid.u32;
	s3 =	simm.s32 $0x0;
	s16 =	simm.s32 $0xA0  }
0x4: {  	s17 =	simm.s32 $0x1;
	s18 =	simm.s32 $0x0;
	s5 =	smul.u32 $0x2710, s1  }
0x5: {  	s7 =	sand.u32 $0x1, s0;
	s0 =	rddreg [dreg:$0x2];
	s8 =	smul.u32 $0x9C0, s1  }
0x6: {  	[smem:$0x7FF] =	sst s3;
	s9 =	smul.u32 $0x13800, s1;
	s10 =	sadd.s32 $0x20E00, s6  }
0x7: {  	s29 =	sshll.u32 s1, $0x6;
	s15 =	sadd.s32 $0x4E000, s2;
	s4 =	smul.u32 $0x27100, s7  }
0x8: {  	p0 =	sne.s32 s1, $0xF;
	s28 =	ssub.s32 $0x2, s7;
	s12 =	smul.u32 $0x9C40, s7  }
0x9: {  	_ =	strace $0x80000047;
	s7 =	smul.u32 $0x4E200, s7;
	s13 =	sshrl.u32 s28, $0x1  }
0xa: {  	s9 =	sshrl.u32 s9, $0x2;
	s5 =	sadd.s32 s5, s4;
	s4 =	sadd.s32 $0x16600, s6  }
0xb: {  	s13 =	ssub.s32 s28, s13;
	s14 =	sadd.s32 s9, s2;
	s8 =	sadd.s32 s8, s12  }
0xc: {  	s30 =	sshrl.u32 s7, $0x3;
	s5 =	sshrl.u32 s5, $0x3;
	s7 =	sadd.s32 s10, s8  }
0xd: {  	s31 =	sadd.s32 s10, s30;
	s9 =	smax.u32 s13, $0x1;
	s12 =	sshrl.u32 s14, $0x3  }
0xe: {  	s13 =	simm.s32 $0x2;
	s14 =	sshrl.u32 @!p0 s15, $0x3;
	s15 =	simm.s32 $0x50  }
0xf: {  	s11 =	sadd.s32 s5, s6;
	s5 =	sadd.s32 $0x20400, s6;
	s6 =	sor.u32 $0x1C02, s29  }
0x10: {  	s8 =	sadd.s32 $0x9C00, s31;
	s10 =	sadd.s32 $0x2A00, s11;
	s11 =	sadd.s32 $0xC800, s11  }
.LBB2_1:
0x11: {  	[spmem:s12], [sflag:s6] =	dma.local [hbm:s5], $0x9C0  }
0x12: {  	_ =	swait.ge [sflag:s13], $0x9C0  }
0x13: {  	[sflag:s13] =	ssyncset.done $0x0  }
0x14: {  	s19 =	simm.s32 @!p0 $0x2;
	[sflag:s13] =	ssyncadd.s32 $0xFFFFF640  }
0x15: {  	[spmem:s14], [sflag:s6] =	dma.local @!p0 [hbm:s5], $0x40  }
0x16: {  	_ =	swait.ge @!p0 [sflag:s19], $0x40  }
0x17: {  	[sflag:s19] =	ssyncset.done @!p0 $0x0  }
0x18: {  	[sflag:s19] =	ssyncadd.s32 @!p0 $0xFFFFFFC0  }
0x19: {  	s30 =	sadd.s32 $0x0, s11;
	[bflag:$0x0] =	sbarrier.arrive $0xFFFF  }
0x1a: {  	[tilespmem:s3], [sflag:$0x2] =	stream.linear.gather [hbm4b:s30+s3], $0x50, $0x38;
	[tilespmem:$0x58C0] =	vst v63  }
0x1b: {  	_ =	swait.ge [sflag:s13], $0x50  }
0x1c: {  	[sflag:s13] =	ssyncset.done $0x0  }
0x1d: {  	s31 =	sadd.s32 $0x0, s10;
	[sflag:s13] =	ssyncadd.s32 $0xFFFFFFB0  }
0x1e: {  	[tilespmem:s15], [sflag:$0x2] =	stream.linear.gather [hbm4b:s31+s3], $0x50, $0x38;
	[tilespmem:$0x58C0] =	vst v63  }
0x1f: {  	_ =	swait.ge [sflag:s13], $0x50  }
0x20: {  	[sflag:s13] =	ssyncset.done $0x0  }
0x21: {  	[sflag:s13] =	ssyncadd.s32 $0xFFFFFFB0  }
0x22: {  	[tilespmem:s16], [sflag:$0x1] =	stream.indirect.gather [hbm4b:s4+s15], $0x20, s3, s15, $0xb8;
	[tilespmem:$0x58C0] =	vst v63  }
0x23: {  	_ =	swait.ge [sflag:s17], $0xA00  }
0x24: {  	[sflag:s17] =	ssyncset.done $0x0  }
0x25: {  	[sflag:s17] =	ssyncadd.s32 $0xFFFFF600  }
0x26: {  	[spmem:s2] =	stream.indirect.scatter.add.f32 [tilespmem:s16], [sflag:$0x2], $0x20, s15, s15, $0xb8;
	[tilespmem:$0x58C0] =	vst v63  }
0x27: {  	_ =	swait.ge [sflag:s13], $0xA00  }
0x28: {  	s20 =	simm.s32 $0x14;
	s19 =	simm.s32 $0xA;
	[sflag:s13] =	ssyncset.done $0x0  }
.LBB2_2:
0x29: {  	s21 =	sadd.s32 s19, s11  }
0x2a: {  	[sflag:s13] =	ssyncadd.s32 $0xFFFFF600;
	s22 =	smov.u32 s20;
	s23 =	sadd.s32 $0xA, s20  }
0x2b: {  	[tilespmem:s3], [sflag:$0x2] =	stream.linear.gather [hbm4b:s21+s3], $0x50, $0x38;
	[tilespmem:$0x58C0] =	vst v63  }
0x2c: {  	p1 =	sne.s32 s20, $0x4D8;
	_ =	swait.ge [sflag:s13], $0x50  }
0x2d: {  	[sflag:s13] =	ssyncset.done $0x0  }
0x2e: {  	s20 =	sadd.s32 s19, s10;
	s19 =	smov.u32 s22;
	[sflag:s13] =	ssyncadd.s32 $0xFFFFFFB0  }
0x2f: {  	[tilespmem:s15], [sflag:$0x2] =	stream.linear.gather [hbm4b:s20+s3], $0x50, $0x38;
	[tilespmem:$0x58C0] =	vst v63  }
0x30: {  	_ =	swait.ge [sflag:s13], $0x50  }
0x31: {  	[sflag:s13] =	ssyncset.done $0x0  }
0x32: {  	[sflag:s13] =	ssyncadd.s32 $0xFFFFFFB0  }
0x33: {  	[tilespmem:s16], [sflag:$0x1] =	stream.indirect.gather [hbm4b:s4+s15], $0x20, s3, s15, $0xb8;
	[tilespmem:$0x58C0] =	vst v63  }
0x34: {  	_ =	swait.ge [sflag:s17], $0xA00  }
.Ltmp0:
0x35: {  	[sflag:s17] =	ssyncset.done $0x0;
	(pc) =	sbr.rel @p1 .LBB2_2-.Ltmp0, $4  }
0x36: {  	[sflag:s17] =	ssyncadd.s32 $0xFFFFF600  }
0x37: {  	[spmem:s2] =	stream.indirect.scatter.add.f32 [tilespmem:s16], [sflag:$0x2], $0x20, s15, s15, $0xb8;
	[tilespmem:$0x58C0] =	vst v63  }
0x38: {  	_ =	swait.ge [sflag:s13], $0xA00  }
0x39: {  	s20 =	smov.u32 s23;
	[sflag:s13] =	ssyncset.done $0x0  }
0x3a: {  	s20 =	sadd.s32 s19, s11;
	[sflag:s13] =	ssyncadd.s32 $0xFFFFF600  }
0x3b: {  	[tilespmem:s3], [sflag:$0x2] =	stream.linear.gather [hbm4b:s20+s3], $0x50, $0x38;
	[tilespmem:$0x58C0] =	vst v63  }
0x3c: {  	_ =	swait.ge [sflag:s13], $0x50  }
0x3d: {  	[sflag:s13] =	ssyncset.done $0x0  }
0x3e: {  	s31 =	sadd.s32 s19, s10;
	[sflag:s13] =	ssyncadd.s32 $0xFFFFFFB0  }
0x3f: {  	[tilespmem:s15], [sflag:$0x2] =	stream.linear.gather [hbm4b:s31+s3], $0x50, $0x38;
	[tilespmem:$0x58C0] =	vst v63  }
0x40: {  	_ =	swait.ge [sflag:s13], $0x50  }
0x41: {  	[sflag:s13] =	ssyncset.done $0x0  }
0x42: {  	[sflag:s13] =	ssyncadd.s32 $0xFFFFFFB0  }
0x43: {  	[tilespmem:s16], [sflag:$0x1] =	stream.indirect.gather [hbm4b:s4+s15], $0x20, s3, s15, $0xb8;
	[tilespmem:$0x58C0] =	vst v63  }
0x44: {  	_ =	swait.ge [sflag:s17], $0xA00  }
0x45: {  	[sflag:s17] =	ssyncset.done $0x0  }
0x46: {  	[sflag:s17] =	ssyncadd.s32 $0xFFFFF600  }
0x47: {  	[spmem:s2] =	stream.indirect.scatter.add.f32 [tilespmem:s16], [sflag:$0x2], $0x20, s15, s15, $0xb8;
	[tilespmem:$0x58C0] =	vst v63  }
0x48: {  	_ =	swait.ge [sflag:s13], $0xA00  }
0x49: {  	[sflag:s13] =	ssyncset.done $0x0  }
0x4a: {  	[sflag:s13] =	ssyncadd.s32 $0xFFFFF600  }
0x4b: {  	[bflag:$0x0] =	sbarrier.arrive $0xFFFF  }
0x4c: {  	[hbm:s7], [sflag:s6] =	dma.local [spmem:s12], $0x9C0  }
0x4d: {  	s18 =	sadd.s32 $0x1, s18;
	_ =	swait.ge [sflag:s13], $0x9C0  }
0x4e: {  	p1 =	sne.s32 s18, s9;
	[sflag:s13] =	ssyncset.done $0x0  }
.Ltmp1:
0x4f: {  	s19 =	simm.s32 @!p0 $0x2;
	[sflag:s13] =	ssyncadd.s32 $0xFFFFF640;
	(pc) =	sbr.rel @p1 .LBB2_1-.Ltmp1, $4  }
0x50: {  	[hbm:s8], [sflag:s6] =	dma.local @!p0 [spmem:s14], $0x40  }
0x51: {  	_ =	swait.ge @!p0 [sflag:s19], $0x40  }
0x52: {  	[sflag:s19] =	ssyncset.done @!p0 $0x0  }
0x53: {  	[sflag:s19] =	ssyncadd.s32 @!p0 $0xFFFFFFC0  }
0x54: {  	_ =	sfence.sel $0x180000  }
0x55: {  	[bflag:$0x0] =	sbarrier.arrive $0xFFFF  }
0x56: {  	p0 =	sne.s32 s1, $0x0;
	_ =	strace $0x90000047  }
0x57: {  	s0 =	sadd.s32 @!p0 $0x100000, s0;
	[bflag:$0x2] =	sbarrier.arrive $0xFFFF  }
0x58: {  	[sflag:s0] =	ssyncadd.tile.s32 @!p0 $0x1;
	_ =	shalt  }
.Lfunc_end2:
_tile_overlayer_lowered:
.L_overlay_start_2:
0x59: {  	(tag) =	ssettag $0x2  }
0x5a: {  	s0 =	rddreg [dreg:$0x0];
	s2 =	stileid.u32  }
0x5b: {  	s1 =	rddreg [dreg:$0x1];
	p0 =	sne.s32 s2, $0x0  }
0x5c: {  	s3 =	rddreg [dreg:$0x2];
	[bflag:$0x3] =	sbarrier.arrive $0xFFFF;
	s2 =	simm.s32 @!p0 $0x1C02  }
0x5d: {  	[timem:s3], [sflag:s2] =	dma.local @!p0 [hbm:s0], s1  }
0x5e: {  	s0 =	simm.s32 @!p0 $0x2  }
0x5f: {  	_ =	swait.ge @!p0 [sflag:s0], s1  }
0x60: {  	s1 =	ssub.s32 @!p0 $0x0, s1;
	[sflag:s0] =	ssyncset.done @!p0 $0x0  }
0x61: {  	[sflag:s0] =	ssyncadd.s32 @!p0 s1  }
0x62: {  	[bflag:$0x3] =	sbarrier.arrive $0xFFFF  }
0x63: {  	_ =	shalt  }

// kernel: kernel.13.cloned.1.call-start
scs
__scs_entry_jumppad:
0x0: {  	(pc) =	sbr.rel $0x88, $3  }
0x1: {  	(tag) =	ssettag $0x0;
	lr =	simm.s32 $0x1  }
0x2: {  	[smem:$0x3F90] =	sst lr;
	_ =	strace $0xD0000000  }
0x3: {  	_ = 	snop  }
0x4: {  	_ = 	snop  }
0x5: {  	_ = 	snop  }
0x6: {  	_ = 	snop  }
0x7: {  	_ = 	snop  }
__scs_overlays_trampoline_lowered:
0x8: {  	[smem:$0x3F9F] =	sst s0  }
0x9: {  	[smem:$0x3FA0] =	sst s1  }
0xa: {  	[smem:$0x3FA1] =	sst s2  }
0xb: {  	[smem:$0x3FA2] =	sst s3  }
0xc: {  	[smem:$0x3FA3] =	sst s4  }
0xd: {  	[smem:$0x3FA4] =	sst s5  }
0xe: {  	[smem:$0x3FA5] =	sst s6  }
0xf: {  	[smem:$0x3FA6] =	sst s7  }
0x10: {  	[smem:$0x3FA7] =	sst s8  }
0x11: {  	[smem:$0x3FA8] =	sst s9;
	s0 =	simm.s32 @!p0 $0x0  }
0x12: {  	s1 =	sld [smem:$0x3F8E];
	s0 =	simm.s32 @p0 $0x1  }
0x13: {  	[smem:$0x3FA9] =	sst s0;
	s0 =	simm.s32 @!p1 $0x0  }
0x14: {  	s2 =	sld [smem:$0x3F8D];
	s0 =	simm.s32 @p1 $0x1  }
0x15: {  	[smem:$0x3FAA] =	sst s0;
	s0 =	simm.s32 @!p2 $0x0  }
0x16: {  	s3 =	sld [smem:$0x3FDB];
	s0 =	simm.s32 @p2 $0x1  }
0x17: {  	s4 =	simm.s32 $0x1BF5;
	[smem:$0x3FAC] =	sst s0  }
0x18: {  	s0 =	sld [smem:$0x3F8F];
	_ =	swait.ge [sflag:s4], $0x0  }
0x19: {  	s7 =	sld [smem:$0x3F90]  }
0x1a: {  	s8 =	sadd.s32 $0xFFFFE003, lr  }
0x1b: {  	s9 =	sadd.s32 $0xFFFFFEF7, lr;
	s5 =	simm.s32 $0xFFFFFFFF;
	p2 =	slt.u32 s8, $0xFFFFF086  }
0x1c: {  	p1 =	slt.u32 s9, $0xF7A;
	s5 =	simm.s32 @!p2 $0x0  }
0x1d: {  	s5 =	simm.s32 @p1 $0x1;
	p0 =	seq.s32 s7, s2  }
0x1e: {  	s7 =	smul.u32 @!p0 $0xF7A, s2;
	p2 =	seq.s32 @!p0 s5, $0x0  }
0x1f: {  	s9 =	smul.u32 $0xF7A, s1;
	s8 =	simm.s32 @!p0 $0x1BF5;
	p2 =	por !p2, p0  }
0x20: {  	[sflag:s8] =	ssyncset.s32 @!p0 $0xFFFFF086;
	s6 =	sadd.s32 @!p0 s3, s7;
	s7 =	simm.s32 @!p0 $0x108  }
0x21: {  	s3 =	sadd.s32 s3, s9;
	s6 =	sadd.s32 @!p0 $0x88, s6;
	s7 =	simm.s32 @p2 $0x1082  }
0x22: {  	[simem:s7], [sflag:s8] =	dma.local @!p0 [hbm:s6], $0xF7A  }
0x23: {  	s9 =	sor.u32 $0xD0000000, s2;
	s6 =	simm.s32 $0x108;
	_ =	swait.ge @!p0 [sflag:s8], $0x0  }
0x24: {  	s3 =	sadd.s32 $0x88, s3;
	s6 =	simm.s32 @!p1 $0x1082;
	[sflag:s4] =	ssyncset.s32 $0xFFFFF086  }
0x25: {  	[simem:s6], [sflag:s4] =	dma.local [hbm:s3], $0xF7A  }
0x26: {  	[smem:$0x3F90] =	sst s1;
	(tag) =	ssettag s2;
	_ =	strace s9  }
0x27: {  	s1 =	sld [smem:$0x3FA0]  }
0x28: {  	s2 =	sld [smem:$0x3FA1]  }
0x29: {  	s4 =	sld [smem:$0x3FA3]  }
0x2a: {  	p0 =	seq.s32 s5, $0x0;
	s5 =	sld [smem:$0x3FA4]  }
0x2b: {  	s6 =	sld [smem:$0x3FA5]  }
0x2c: {  	s7 =	sld [smem:$0x3FA6]  }
0x2d: {  	s3 =	simm.s32 $0x108;
	s8 =	sld [smem:$0x3FA7]  }
0x2e: {  	s3 =	simm.s32 @!p0 $0x1082;
	s9 =	sld [smem:$0x3FA8]  }
0x2f: {  	lr =	sadd.s32 s0, s3;
	s0 =	sld [smem:$0x3F9F]  }
0x30: {  	s3 =	sld [smem:$0x3FA2]  }
0x31: {  	[smem:$0x3FAB] =	sst s10  }
0x32: {  	s10 =	sld [smem:$0x3FA9];
	_ =	sdelay $0x3  }
0x33: {  	p0 =	seq.s32 s10, $0x1;
	s10 =	sld [smem:$0x3FAB];
	_ =	sdelay $0x3  }
0x34: {  	[smem:$0x3FAB] =	sst s10  }
0x35: {  	s10 =	sld [smem:$0x3FAA];
	_ =	sdelay $0x3  }
0x36: {  	p1 =	seq.s32 s10, $0x1;
	s10 =	sld [smem:$0x3FAB];
	_ =	sdelay $0x3  }
0x37: {  	[smem:$0x3FAB] =	sst s10  }
0x38: {  	s10 =	sld [smem:$0x3FAC]  }
0x39: {  	_ = 	snop;
	(pc) =	sbr.ind lr, $3  }
0x3a: {  	_ = 	snop  }
0x3b: {  	_ = 	snop  }
0x3c: {  	p2 =	seq.s32 s10, $0x1;
	s10 =	sld [smem:$0x3FAB]  }
0x3d: {  	_ =	shalt  }
0x3e: {  	_ =	shalt  }
0x3f: {  	_ =	shalt  }
0x40: {  	_ =	shalt  }
0x41: {  	_ =	shalt  }
0x42: {  	_ =	shalt  }
0x43: {  	_ =	shalt  }
0x44: {  	_ =	shalt  }
0x45: {  	_ =	shalt  }
0x46: {  	_ =	shalt  }
0x47: {  	_ =	shalt  }
0x48: {  	_ =	shalt  }
0x49: {  	_ =	shalt  }
0x4a: {  	_ =	shalt  }
0x4b: {  	_ =	shalt  }
0x4c: {  	_ =	shalt  }
0x4d: {  	_ =	shalt  }
0x4e: {  	_ =	shalt  }
0x4f: {  	_ =	shalt  }
0x50: {  	_ =	shalt  }
0x51: {  	_ =	shalt  }
0x52: {  	_ =	shalt  }
0x53: {  	_ =	shalt  }
0x54: {  	_ =	shalt  }
0x55: {  	_ =	shalt  }
0x56: {  	_ =	shalt  }
0x57: {  	_ =	shalt  }
0x58: {  	_ =	shalt  }
0x59: {  	_ =	shalt  }
0x5a: {  	_ =	shalt  }
0x5b: {  	_ =	shalt  }
0x5c: {  	_ =	shalt  }
0x5d: {  	_ =	shalt  }
0x5e: {  	_ =	shalt  }
0x5f: {  	_ =	shalt  }
0x60: {  	_ =	shalt  }
0x61: {  	_ =	shalt  }
0x62: {  	_ =	shalt  }
0x63: {  	_ =	shalt  }
0x64: {  	_ =	shalt  }
0x65: {  	_ =	shalt  }
0x66: {  	_ =	shalt  }
0x67: {  	_ =	shalt  }
0x68: {  	_ =	shalt  }
0x69: {  	_ =	shalt  }
0x6a: {  	_ =	shalt  }
0x6b: {  	_ =	shalt  }
0x6c: {  	_ =	shalt  }
0x6d: {  	_ =	shalt  }
0x6e: {  	_ =	shalt  }
0x6f: {  	_ =	shalt  }
0x70: {  	_ =	shalt  }
0x71: {  	_ =	shalt  }
0x72: {  	_ =	shalt  }
0x73: {  	_ =	shalt  }
0x74: {  	_ =	shalt  }
0x75: {  	_ =	shalt  }
0x76: {  	_ =	shalt  }
0x77: {  	_ =	shalt  }
0x78: {  	_ =	shalt  }
0x79: {  	_ =	shalt  }
0x7a: {  	_ =	shalt  }
0x7b: {  	_ =	shalt  }
0x7c: {  	_ =	shalt  }
0x7d: {  	_ =	shalt  }
0x7e: {  	_ =	shalt  }
0x7f: {  	_ =	shalt  }
0x80: {  	_ =	shalt  }
0x81: {  	_ =	shalt  }
0x82: {  	_ =	shalt  }
0x83: {  	_ =	shalt  }
0x84: {  	_ =	shalt  }
0x85: {  	_ =	shalt  }
0x86: {  	_ =	shalt  }
0x87: {  	_ =	shalt  }
.Lfunc_end0:
.L_simem_size_0:
called_computation.1_lowered:
.L_overlay_start_0:
0x88: {  	s2 =	sld [smem:$0x3FD9]  }
0x89: {  	s3 =	sld [smem:$0x3FFE];
	_ =	sdelay $0x1  }
0x8a: {  	s1 =	srdreg.scid  }
0x8b: {  	s0 =	sand.u32 $0x1, s1  }
0x8c: {  	s16 =	sshll.u32 s0, $0xA;
	s2 =	sadd.s32 s3, s2  }
0x8d: {  	s2 =	sadd.s32 s2, s16  }
0x8e: {  	[smem:$0x3FB7] =	sst s2  }
0x8f: {  	_ = 	snop  }
0x90: {  	(tm) =	ssettm $0x1  }
0x91: {  	s17 =	sld [smem:$0x3FFB];
	_ =	sdelay $0x3  }
0x92: {  	_ =	strace s17  }
0x93: {  	s2 =	sld [smem:$0x3FFC];
	_ =	sdelay $0x3  }
0x94: {  	_ =	strace s2  }
0x95: {  	s2 =	sld [smem:$0x3FFD];
	_ =	sdelay $0x3  }
0x96: {  	_ =	strace s2  }
0x97: {  	_ =	strace $0x8FFFFFFF  }
0x98: {  	s18 =	sld [smem:$0x3FDB];
	_ =	sdelay $0x1  }
0x99: {  	s19 =	simm.s32 $_scs_section_size  }
0x9a: {  	s4 =	simm.s32 $_size__tile_overlayer_lowered;
	s5 =	simm.s32 $_tile_overlayer_lowered  }
0x9b: {  	s22 =	simm.s32 $0x1BFF;
	s21 =	sshll.u32 s5, $0x1;
	s2 =	sadd.s32 s19, s18  }
0x9c: {  	s6 =	simm.s32 $0x0;
	s20 =	sshll.u32 s4, $0x1;
	s4 =	sadd.s32 s21, s2  }
0x9d: {  	[timem:s6], [sflag:s22] =	dma.local [hbm:s4], s20  }
0x9e: {  	_ =	swait.ge [sflag:s22], s20  }
0x9f: {  	s3 =	ssub.s32 $0x0, s20;
	[sflag:s22] =	ssyncset.done $0x0  }
0xa0: {  	[sflag:s22] =	ssyncadd.s32 s3;
	_ =	sdelay $0x1  }
0xa1: {  	s23 =	simm.s32 $0x1B8B  }
0xa2: {  	_ =	swait.ge [sflag:s23], $0x1  }
0xa3: {  	[sflag:s23] =	ssyncset.done $0x0  }
0xa4: {  	s25 =	simm.s32 $0x1B8E;
	s24 =	sld [smem:$0x3FFE];
	[sflag:s23] =	ssyncadd.s32 $0xFFFFFFFF  }
0xa5: {  	s26 =	simm.s32 $execute0_lowered;
	[smem:$0x3FD2] =	sst s25  }
0xa6: {  	s4 =	sshll.u32 s26, $0x1;
	_ =	strace $0x80000049;
	[dreg:$0x1] =	wrdreg $0xFFFFFFFF  }
0xa7: {  	s28 =	simm.s32 $_size_execute0_lowered;
	s2 =	sadd.s32 s2, s4;
	[dreg:$0x0] =	wrdreg $0x0  }
0xa8: {  	s4 =	sshll.u32 s28, $0x1;
	[dreg:$0x2] =	wrdreg s2  }
0xa9: {  	[dreg:$0x3] =	wrdreg s4  }
0xaa: {  	[dreg:$0x4] =	wrdreg $0xC0  }
0xab: {  	_ =	task [dreg:s6], $0x5FFFF  }
0xac: {  	[dreg:$0x1] =	wrdreg $0xFFFFFFFF  }
0xad: {  	[dreg:$0x0] =	wrdreg $0x60  }
0xae: {  	[dreg:$0x2] =	wrdreg s24  }
0xaf: {  	[dreg:$0x3] =	wrdreg $0xAA00  }
0xb0: {  	[dreg:$0x4] =	wrdreg $0x9  }
0xb1: {  	_ =	task.clear_ibuf [dreg:s6], $0x5FFFF;
	_ =	strace $0x90000049  }
0xb2: {  	s29 =	simm.s32 $0x9;
	_ =	strace $0x8000004B  }
0xb3: {  	_ =	swait.ge [sflag:s29], $0x1  }
0xb4: {  	[sflag:s29] =	ssyncadd.s32 $0xFFFFFFFF  }
0xb5: {  	_ =	strace $0x9000004B  }
0xb6: {  	_ =	sfence  }
0xb7: {  	s30 =	sld [smem:$0x0];
	_ =	sdelay $0x2  }
0xb8: {  	s31 =	sshll.u32 s1, $0xD;
	s1 =	sshrl.u32 s1, $0x2  }
0xb9: {  	s3 =	sand.u32 $0x4000, s31;
	s1 =	sadd.s32 s1, s30  }
0xba: {  	s0 =	sor.u32 s3, s0;
	s1 =	sshll.u32 s1, $0x11  }
0xbb: {  	s0 =	sor.u32 s1, s0  }
0xbc: {  	s0 =	sadd.s32 $0x8F2B, s0  }
0xbd: {  	[sflag:s0] =	ssyncadd.remote.s32 $0x1  }
0xbe: {  	_ =	sfence.sel $0xFFFF  }
0xbf: {  	[dreg:$0x0] =	wrdreg $0xFFFFFFFF;
	(pc) =	sbr.abs _section_cstart, $3  }
0xc0: {  	[dreg:$0x1] =	wrdreg $0xFFFFFFFF  }
0xc1: {  	_ =	task.clear_ibuf [dreg:s6], $0x2FFFF;
	_ =	strace $0x9FFFFFFF  }
0xc2: {  	(tm) =	ssettm $0x7FFFFFFF  }
0xc3: {  	_ =	shalt  }
tec
execute0_lowered:
.L_overlay_start_1:
0x0: {  	(tag) =	ssettag $0x1  }
0x1: {  	s6 =	rddreg [dreg:$0x0]  }
0x2: {  	s0 =	srdreg.scid;
	s2 =	rddreg [dreg:$0x1]  }
0x3: {  	s1 =	stileid.u32;
	s3 =	simm.s32 $0x0;
	s16 =	simm.s32 $0xA0  }
0x4: {  	s17 =	simm.s32 $0x1;
	s18 =	simm.s32 $0x0;
	s5 =	smul.u32 $0x2710, s1  }
0x5: {  	s7 =	sand.u32 $0x1, s0;
	s0 =	rddreg [dreg:$0x2];
	s8 =	smul.u32 $0x9C0, s1  }
0x6: {  	[smem:$0x7FF] =	sst s3;
	s9 =	smul.u32 $0x13800, s1;
	s10 =	sadd.s32 $0x20E00, s6  }
0x7: {  	s29 =	sshll.u32 s1, $0x6;
	s15 =	sadd.s32 $0x4E000, s2;
	s4 =	smul.u32 $0x27100, s7  }
0x8: {  	p0 =	sne.s32 s1, $0xF;
	s28 =	ssub.s32 $0x2, s7;
	s12 =	smul.u32 $0x9C40, s7  }
0x9: {  	_ =	strace $0x8000004A;
	s7 =	smul.u32 $0x4E200, s7;
	s13 =	sshrl.u32 s28, $0x1  }
0xa: {  	s9 =	sshrl.u32 s9, $0x2;
	s5 =	sadd.s32 s5, s4;
	s4 =	sadd.s32 $0x16600, s6  }
0xb: {  	s13 =	ssub.s32 s28, s13;
	s14 =	sadd.s32 s9, s2;
	s8 =	sadd.s32 s8, s12  }
0xc: {  	s30 =	sshrl.u32 s7, $0x3;
	s5 =	sshrl.u32 s5, $0x3;
	s7 =	sadd.s32 s10, s8  }
0xd: {  	s31 =	sadd.s32 s10, s30;
	s9 =	smax.u32 s13, $0x1;
	s12 =	sshrl.u32 s14, $0x3  }
0xe: {  	s13 =	simm.s32 $0x2;
	s14 =	sshrl.u32 @!p0 s15, $0x3;
	s15 =	simm.s32 $0x50  }
0xf: {  	s11 =	sadd.s32 s5, s6;
	s5 =	sadd.s32 $0x20400, s6;
	s6 =	sor.u32 $0x1C02, s29  }
0x10: {  	s8 =	sadd.s32 $0x9C00, s31;
	s10 =	sadd.s32 $0x2A00, s11;
	s11 =	sadd.s32 $0xC800, s11  }
.LBB2_1:
0x11: {  	[spmem:s12], [sflag:s6] =	dma.local [hbm:s5], $0x9C0  }
0x12: {  	_ =	swait.ge [sflag:s13], $0x9C0  }
0x13: {  	[sflag:s13] =	ssyncset.done $0x0  }
0x14: {  	s19 =	simm.s32 @!p0 $0x2;
	[sflag:s13] =	ssyncadd.s32 $0xFFFFF640  }
0x15: {  	[spmem:s14], [sflag:s6] =	dma.local @!p0 [hbm:s5], $0x40  }
0x16: {  	_ =	swait.ge @!p0 [sflag:s19], $0x40  }
0x17: {  	[sflag:s19] =	ssyncset.done @!p0 $0x0  }
0x18: {  	[sflag:s19] =	ssyncadd.s32 @!p0 $0xFFFFFFC0  }
0x19: {  	s30 =	sadd.s32 $0x0, s11;
	[bflag:$0x0] =	sbarrier.arrive $0xFFFF  }
0x1a: {  	[tilespmem:s3], [sflag:$0x2] =	stream.linear.gather [hbm4b:s30+s3], $0x50, $0x38;
	[tilespmem:$0x58C0] =	vst v63  }
0x1b: {  	_ =	swait.ge [sflag:s13], $0x50  }
0x1c: {  	[sflag:s13] =	ssyncset.done $0x0  }
0x1d: {  	s31 =	sadd.s32 $0x0, s10;
	[sflag:s13] =	ssyncadd.s32 $0xFFFFFFB0  }
0x1e: {  	[tilespmem:s15], [sflag:$0x2] =	stream.linear.gather [hbm4b:s31+s3], $0x50, $0x38;
	[tilespmem:$0x58C0] =	vst v63  }
0x1f: {  	_ =	swait.ge [sflag:s13], $0x50  }
0x20: {  	[sflag:s13] =	ssyncset.done $0x0  }
0x21: {  	[sflag:s13] =	ssyncadd.s32 $0xFFFFFFB0  }
0x22: {  	[tilespmem:s16], [sflag:$0x1] =	stream.indirect.gather [hbm4b:s4+s15], $0x20, s3, s15, $0xb8;
	[tilespmem:$0x58C0] =	vst v63  }
0x23: {  	_ =	swait.ge [sflag:s17], $0xA00  }
0x24: {  	[sflag:s17] =	ssyncset.done $0x0  }
0x25: {  	[sflag:s17] =	ssyncadd.s32 $0xFFFFF600  }
0x26: {  	[spmem:s2] =	stream.indirect.scatter.add.f32 [tilespmem:s16], [sflag:$0x2], $0x20, s15, s15, $0xb8;
	[tilespmem:$0x58C0] =	vst v63  }
0x27: {  	_ =	swait.ge [sflag:s13], $0xA00  }
0x28: {  	s20 =	simm.s32 $0x14;
	s19 =	simm.s32 $0xA;
	[sflag:s13] =	ssyncset.done $0x0  }
.LBB2_2:
0x29: {  	s21 =	sadd.s32 s19, s11  }
0x2a: {  	[sflag:s13] =	ssyncadd.s32 $0xFFFFF600;
	s22 =	smov.u32 s20;
	s23 =	sadd.s32 $0xA, s20  }
0x2b: {  	[tilespmem:s3], [sflag:$0x2] =	stream.linear.gather [hbm4b:s21+s3], $0x50, $0x38;
	[tilespmem:$0x58C0] =	vst v63  }
0x2c: {  	p1 =	sne.s32 s20, $0x4D8;
	_ =	swait.ge [sflag:s13], $0x50  }
0x2d: {  	[sflag:s13] =	ssyncset.done $0x0  }
0x2e: {  	s20 =	sadd.s32 s19, s10;
	s19 =	smov.u32 s22;
	[sflag:s13] =	ssyncadd.s32 $0xFFFFFFB0  }
0x2f: {  	[tilespmem:s15], [sflag:$0x2] =	stream.linear.gather [hbm4b:s20+s3], $0x50, $0x38;
	[tilespmem:$0x58C0] =	vst v63  }
0x30: {  	_ =	swait.ge [sflag:s13], $0x50  }
0x31: {  	[sflag:s13] =	ssyncset.done $0x0  }
0x32: {  	[sflag:s13] =	ssyncadd.s32 $0xFFFFFFB0  }
0x33: {  	[tilespmem:s16], [sflag:$0x1] =	stream.indirect.gather [hbm4b:s4+s15], $0x20, s3, s15, $0xb8;
	[tilespmem:$0x58C0] =	vst v63  }
0x34: {  	_ =	swait.ge [sflag:s17], $0xA00  }
.Ltmp0:
0x35: {  	[sflag:s17] =	ssyncset.done $0x0;
	(pc) =	sbr.rel @p1 .LBB2_2-.Ltmp0, $4  }
0x36: {  	[sflag:s17] =	ssyncadd.s32 $0xFFFFF600  }
0x37: {  	[spmem:s2] =	stream.indirect.scatter.add.f32 [tilespmem:s16], [sflag:$0x2], $0x20, s15, s15, $0xb8;
	[tilespmem:$0x58C0] =	vst v63  }
0x38: {  	_ =	swait.ge [sflag:s13], $0xA00  }
0x39: {  	s20 =	smov.u32 s23;
	[sflag:s13] =	ssyncset.done $0x0  }
0x3a: {  	s20 =	sadd.s32 s19, s11;
	[sflag:s13] =	ssyncadd.s32 $0xFFFFF600  }
0x3b: {  	[tilespmem:s3], [sflag:$0x2] =	stream.linear.gather [hbm4b:s20+s3], $0x50, $0x38;
	[tilespmem:$0x58C0] =	vst v63  }
0x3c: {  	_ =	swait.ge [sflag:s13], $0x50  }
0x3d: {  	[sflag:s13] =	ssyncset.done $0x0  }
0x3e: {  	s31 =	sadd.s32 s19, s10;
	[sflag:s13] =	ssyncadd.s32 $0xFFFFFFB0  }
0x3f: {  	[tilespmem:s15], [sflag:$0x2] =	stream.linear.gather [hbm4b:s31+s3], $0x50, $0x38;
	[tilespmem:$0x58C0] =	vst v63  }
0x40: {  	_ =	swait.ge [sflag:s13], $0x50  }
0x41: {  	[sflag:s13] =	ssyncset.done $0x0  }
0x42: {  	[sflag:s13] =	ssyncadd.s32 $0xFFFFFFB0  }
0x43: {  	[tilespmem:s16], [sflag:$0x1] =	stream.indirect.gather [hbm4b:s4+s15], $0x20, s3, s15, $0xb8;
	[tilespmem:$0x58C0] =	vst v63  }
0x44: {  	_ =	swait.ge [sflag:s17], $0xA00  }
0x45: {  	[sflag:s17] =	ssyncset.done $0x0  }
0x46: {  	[sflag:s17] =	ssyncadd.s32 $0xFFFFF600  }
0x47: {  	[spmem:s2] =	stream.indirect.scatter.add.f32 [tilespmem:s16], [sflag:$0x2], $0x20, s15, s15, $0xb8;
	[tilespmem:$0x58C0] =	vst v63  }
0x48: {  	_ =	swait.ge [sflag:s13], $0xA00  }
0x49: {  	[sflag:s13] =	ssyncset.done $0x0  }
0x4a: {  	[sflag:s13] =	ssyncadd.s32 $0xFFFFF600  }
0x4b: {  	[bflag:$0x0] =	sbarrier.arrive $0xFFFF  }
0x4c: {  	[hbm:s7], [sflag:s6] =	dma.local [spmem:s12], $0x9C0  }
0x4d: {  	s18 =	sadd.s32 $0x1, s18;
	_ =	swait.ge [sflag:s13], $0x9C0  }
0x4e: {  	p1 =	sne.s32 s18, s9;
	[sflag:s13] =	ssyncset.done $0x0  }
.Ltmp1:
0x4f: {  	s19 =	simm.s32 @!p0 $0x2;
	[sflag:s13] =	ssyncadd.s32 $0xFFFFF640;
	(pc) =	sbr.rel @p1 .LBB2_1-.Ltmp1, $4  }
0x50: {  	[hbm:s8], [sflag:s6] =	dma.local @!p0 [spmem:s14], $0x40  }
0x51: {  	_ =	swait.ge @!p0 [sflag:s19], $0x40  }
0x52: {  	[sflag:s19] =	ssyncset.done @!p0 $0x0  }
0x53: {  	[sflag:s19] =	ssyncadd.s32 @!p0 $0xFFFFFFC0  }
0x54: {  	_ =	sfence.sel $0x180000  }
0x55: {  	[bflag:$0x0] =	sbarrier.arrive $0xFFFF  }
0x56: {  	p0 =	sne.s32 s1, $0x0;
	_ =	strace $0x9000004A  }
0x57: {  	s0 =	sadd.s32 @!p0 $0x100000, s0;
	[bflag:$0x2] =	sbarrier.arrive $0xFFFF  }
0x58: {  	[sflag:s0] =	ssyncadd.tile.s32 @!p0 $0x1;
	_ =	shalt  }
.Lfunc_end2:
_tile_overlayer_lowered:
.L_overlay_start_2:
0x59: {  	(tag) =	ssettag $0x2  }
0x5a: {  	s0 =	rddreg [dreg:$0x0];
	s2 =	stileid.u32  }
0x5b: {  	s1 =	rddreg [dreg:$0x1];
	p0 =	sne.s32 s2, $0x0  }
0x5c: {  	s3 =	rddreg [dreg:$0x2];
	[bflag:$0x3] =	sbarrier.arrive $0xFFFF;
	s2 =	simm.s32 @!p0 $0x1C02  }
0x5d: {  	[timem:s3], [sflag:s2] =	dma.local @!p0 [hbm:s0], s1  }
0x5e: {  	s0 =	simm.s32 @!p0 $0x2  }
0x5f: {  	_ =	swait.ge @!p0 [sflag:s0], s1  }
0x60: {  	s1 =	ssub.s32 @!p0 $0x0, s1;
	[sflag:s0] =	ssyncset.done @!p0 $0x0  }
0x61: {  	[sflag:s0] =	ssyncadd.s32 @!p0 s1  }
0x62: {  	[bflag:$0x3] =	sbarrier.arrive $0xFFFF  }
0x63: {  	_ =	shalt  }

// kernel: kernel.16.cloned.1.call-start
scs
__scs_entry_jumppad:
0x0: {  	(pc) =	sbr.rel $0x88, $3  }
0x1: {  	(tag) =	ssettag $0x0;
	lr =	simm.s32 $0x1  }
0x2: {  	[smem:$0x3F90] =	sst lr;
	_ =	strace $0xD0000000  }
0x3: {  	_ = 	snop  }
0x4: {  	_ = 	snop  }
0x5: {  	_ = 	snop  }
0x6: {  	_ = 	snop  }
0x7: {  	_ = 	snop  }
__scs_overlays_trampoline_lowered:
0x8: {  	[smem:$0x3F9F] =	sst s0  }
0x9: {  	[smem:$0x3FA0] =	sst s1  }
0xa: {  	[smem:$0x3FA1] =	sst s2  }
0xb: {  	[smem:$0x3FA2] =	sst s3  }
0xc: {  	[smem:$0x3FA3] =	sst s4  }
0xd: {  	[smem:$0x3FA4] =	sst s5  }
0xe: {  	[smem:$0x3FA5] =	sst s6  }
0xf: {  	[smem:$0x3FA6] =	sst s7  }
0x10: {  	[smem:$0x3FA7] =	sst s8  }
0x11: {  	[smem:$0x3FA8] =	sst s9;
	s0 =	simm.s32 @!p0 $0x0  }
0x12: {  	s1 =	sld [smem:$0x3F8E];
	s0 =	simm.s32 @p0 $0x1  }
0x13: {  	[smem:$0x3FA9] =	sst s0;
	s0 =	simm.s32 @!p1 $0x0  }
0x14: {  	s2 =	sld [smem:$0x3F8D];
	s0 =	simm.s32 @p1 $0x1  }
0x15: {  	[smem:$0x3FAA] =	sst s0;
	s0 =	simm.s32 @!p2 $0x0  }
0x16: {  	s3 =	sld [smem:$0x3FDB];
	s0 =	simm.s32 @p2 $0x1  }
0x17: {  	s4 =	simm.s32 $0x1BF5;
	[smem:$0x3FAC] =	sst s0  }
0x18: {  	s0 =	sld [smem:$0x3F8F];
	_ =	swait.ge [sflag:s4], $0x0  }
0x19: {  	s7 =	sld [smem:$0x3F90]  }
0x1a: {  	s8 =	sadd.s32 $0xFFFFE003, lr  }
0x1b: {  	s9 =	sadd.s32 $0xFFFFFEF7, lr;
	s5 =	simm.s32 $0xFFFFFFFF;
	p2 =	slt.u32 s8, $0xFFFFF086  }
0x1c: {  	p1 =	slt.u32 s9, $0xF7A;
	s5 =	simm.s32 @!p2 $0x0  }
0x1d: {  	s5 =	simm.s32 @p1 $0x1;
	p0 =	seq.s32 s7, s2  }
0x1e: {  	s7 =	smul.u32 @!p0 $0xF7A, s2;
	p2 =	seq.s32 @!p0 s5, $0x0  }
0x1f: {  	s9 =	smul.u32 $0xF7A, s1;
	s8 =	simm.s32 @!p0 $0x1BF5;
	p2 =	por !p2, p0  }
0x20: {  	[sflag:s8] =	ssyncset.s32 @!p0 $0xFFFFF086;
	s6 =	sadd.s32 @!p0 s3, s7;
	s7 =	simm.s32 @!p0 $0x108  }
0x21: {  	s3 =	sadd.s32 s3, s9;
	s6 =	sadd.s32 @!p0 $0x88, s6;
	s7 =	simm.s32 @p2 $0x1082  }
0x22: {  	[simem:s7], [sflag:s8] =	dma.local @!p0 [hbm:s6], $0xF7A  }
0x23: {  	s9 =	sor.u32 $0xD0000000, s2;
	s6 =	simm.s32 $0x108;
	_ =	swait.ge @!p0 [sflag:s8], $0x0  }
0x24: {  	s3 =	sadd.s32 $0x88, s3;
	s6 =	simm.s32 @!p1 $0x1082;
	[sflag:s4] =	ssyncset.s32 $0xFFFFF086  }
0x25: {  	[simem:s6], [sflag:s4] =	dma.local [hbm:s3], $0xF7A  }
0x26: {  	[smem:$0x3F90] =	sst s1;
	(tag) =	ssettag s2;
	_ =	strace s9  }
0x27: {  	s1 =	sld [smem:$0x3FA0]  }
0x28: {  	s2 =	sld [smem:$0x3FA1]  }
0x29: {  	s4 =	sld [smem:$0x3FA3]  }
0x2a: {  	p0 =	seq.s32 s5, $0x0;
	s5 =	sld [smem:$0x3FA4]  }
0x2b: {  	s6 =	sld [smem:$0x3FA5]  }
0x2c: {  	s7 =	sld [smem:$0x3FA6]  }
0x2d: {  	s3 =	simm.s32 $0x108;
	s8 =	sld [smem:$0x3FA7]  }
0x2e: {  	s3 =	simm.s32 @!p0 $0x1082;
	s9 =	sld [smem:$0x3FA8]  }
0x2f: {  	lr =	sadd.s32 s0, s3;
	s0 =	sld [smem:$0x3F9F]  }
0x30: {  	s3 =	sld [smem:$0x3FA2]  }
0x31: {  	[smem:$0x3FAB] =	sst s10  }
0x32: {  	s10 =	sld [smem:$0x3FA9];
	_ =	sdelay $0x3  }
0x33: {  	p0 =	seq.s32 s10, $0x1;
	s10 =	sld [smem:$0x3FAB];
	_ =	sdelay $0x3  }
0x34: {  	[smem:$0x3FAB] =	sst s10  }
0x35: {  	s10 =	sld [smem:$0x3FAA];
	_ =	sdelay $0x3  }
0x36: {  	p1 =	seq.s32 s10, $0x1;
	s10 =	sld [smem:$0x3FAB];
	_ =	sdelay $0x3  }
0x37: {  	[smem:$0x3FAB] =	sst s10  }
0x38: {  	s10 =	sld [smem:$0x3FAC]  }
0x39: {  	_ = 	snop;
	(pc) =	sbr.ind lr, $3  }
0x3a: {  	_ = 	snop  }
0x3b: {  	_ = 	snop  }
0x3c: {  	p2 =	seq.s32 s10, $0x1;
	s10 =	sld [smem:$0x3FAB]  }
0x3d: {  	_ =	shalt  }
0x3e: {  	_ =	shalt  }
0x3f: {  	_ =	shalt  }
0x40: {  	_ =	shalt  }
0x41: {  	_ =	shalt  }
0x42: {  	_ =	shalt  }
0x43: {  	_ =	shalt  }
0x44: {  	_ =	shalt  }
0x45: {  	_ =	shalt  }
0x46: {  	_ =	shalt  }
0x47: {  	_ =	shalt  }
0x48: {  	_ =	shalt  }
0x49: {  	_ =	shalt  }
0x4a: {  	_ =	shalt  }
0x4b: {  	_ =	shalt  }
0x4c: {  	_ =	shalt  }
0x4d: {  	_ =	shalt  }
0x4e: {  	_ =	shalt  }
0x4f: {  	_ =	shalt  }
0x50: {  	_ =	shalt  }
0x51: {  	_ =	shalt  }
0x52: {  	_ =	shalt  }
0x53: {  	_ =	shalt  }
0x54: {  	_ =	shalt  }
0x55: {  	_ =	shalt  }
0x56: {  	_ =	shalt  }
0x57: {  	_ =	shalt  }
0x58: {  	_ =	shalt  }
0x59: {  	_ =	shalt  }
0x5a: {  	_ =	shalt  }
0x5b: {  	_ =	shalt  }
0x5c: {  	_ =	shalt  }
0x5d: {  	_ =	shalt  }
0x5e: {  	_ =	shalt  }
0x5f: {  	_ =	shalt  }
0x60: {  	_ =	shalt  }
0x61: {  	_ =	shalt  }
0x62: {  	_ =	shalt  }
0x63: {  	_ =	shalt  }
0x64: {  	_ =	shalt  }
0x65: {  	_ =	shalt  }
0x66: {  	_ =	shalt  }
0x67: {  	_ =	shalt  }
0x68: {  	_ =	shalt  }
0x69: {  	_ =	shalt  }
0x6a: {  	_ =	shalt  }
0x6b: {  	_ =	shalt  }
0x6c: {  	_ =	shalt  }
0x6d: {  	_ =	shalt  }
0x6e: {  	_ =	shalt  }
0x6f: {  	_ =	shalt  }
0x70: {  	_ =	shalt  }
0x71: {  	_ =	shalt  }
0x72: {  	_ =	shalt  }
0x73: {  	_ =	shalt  }
0x74: {  	_ =	shalt  }
0x75: {  	_ =	shalt  }
0x76: {  	_ =	shalt  }
0x77: {  	_ =	shalt  }
0x78: {  	_ =	shalt  }
0x79: {  	_ =	shalt  }
0x7a: {  	_ =	shalt  }
0x7b: {  	_ =	shalt  }
0x7c: {  	_ =	shalt  }
0x7d: {  	_ =	shalt  }
0x7e: {  	_ =	shalt  }
0x7f: {  	_ =	shalt  }
0x80: {  	_ =	shalt  }
0x81: {  	_ =	shalt  }
0x82: {  	_ =	shalt  }
0x83: {  	_ =	shalt  }
0x84: {  	_ =	shalt  }
0x85: {  	_ =	shalt  }
0x86: {  	_ =	shalt  }
0x87: {  	_ =	shalt  }
.Lfunc_end0:
.L_simem_size_0:
called_computation.2_lowered:
.L_overlay_start_0:
0x88: {  	s2 =	sld [smem:$0x3FD9]  }
0x89: {  	s3 =	sld [smem:$0x3FFE];
	_ =	sdelay $0x1  }
0x8a: {  	s1 =	srdreg.scid  }
0x8b: {  	s0 =	sand.u32 $0x1, s1  }
0x8c: {  	s16 =	sshll.u32 s0, $0xA;
	s2 =	sadd.s32 s3, s2  }
0x8d: {  	s2 =	sadd.s32 s2, s16  }
0x8e: {  	[smem:$0x3FB7] =	sst s2  }
0x8f: {  	_ = 	snop  }
0x90: {  	(tm) =	ssettm $0x1  }
0x91: {  	s17 =	sld [smem:$0x3FFB];
	_ =	sdelay $0x3  }
0x92: {  	_ =	strace s17  }
0x93: {  	s2 =	sld [smem:$0x3FFC];
	_ =	sdelay $0x3  }
0x94: {  	_ =	strace s2  }
0x95: {  	s2 =	sld [smem:$0x3FFD];
	_ =	sdelay $0x3  }
0x96: {  	_ =	strace s2  }
0x97: {  	_ =	strace $0x8FFFFFFF  }
0x98: {  	s18 =	sld [smem:$0x3FDB];
	_ =	sdelay $0x1  }
0x99: {  	s19 =	simm.s32 $_scs_section_size  }
0x9a: {  	s4 =	simm.s32 $_size__tile_overlayer_lowered;
	s5 =	simm.s32 $_tile_overlayer_lowered  }
0x9b: {  	s22 =	simm.s32 $0x1BFF;
	s21 =	sshll.u32 s5, $0x1;
	s2 =	sadd.s32 s19, s18  }
0x9c: {  	s6 =	simm.s32 $0x0;
	s20 =	sshll.u32 s4, $0x1;
	s4 =	sadd.s32 s21, s2  }
0x9d: {  	[timem:s6], [sflag:s22] =	dma.local [hbm:s4], s20  }
0x9e: {  	_ =	swait.ge [sflag:s22], s20  }
0x9f: {  	s3 =	ssub.s32 $0x0, s20;
	[sflag:s22] =	ssyncset.done $0x0  }
0xa0: {  	[sflag:s22] =	ssyncadd.s32 s3;
	_ =	sdelay $0x1  }
0xa1: {  	s23 =	simm.s32 $0x1B8B  }
0xa2: {  	_ =	swait.ge [sflag:s23], $0x1  }
0xa3: {  	[sflag:s23] =	ssyncset.done $0x0  }
0xa4: {  	s25 =	simm.s32 $0x1B8E;
	s24 =	sld [smem:$0x3FFE];
	[sflag:s23] =	ssyncadd.s32 $0xFFFFFFFF  }
0xa5: {  	s26 =	simm.s32 $execute0_lowered;
	[smem:$0x3FD2] =	sst s25  }
0xa6: {  	s4 =	sshll.u32 s26, $0x1;
	_ =	strace $0x8000004C;
	[dreg:$0x1] =	wrdreg $0xFFFFFFFF  }
0xa7: {  	s28 =	simm.s32 $_size_execute0_lowered;
	s2 =	sadd.s32 s2, s4;
	[dreg:$0x0] =	wrdreg $0x0  }
0xa8: {  	s4 =	sshll.u32 s28, $0x1;
	[dreg:$0x2] =	wrdreg s2  }
0xa9: {  	[dreg:$0x3] =	wrdreg s4  }
0xaa: {  	[dreg:$0x4] =	wrdreg $0xC0  }
0xab: {  	_ =	task [dreg:s6], $0x5FFFF  }
0xac: {  	[dreg:$0x1] =	wrdreg $0xFFFFFFFF  }
0xad: {  	[dreg:$0x0] =	wrdreg $0x60  }
0xae: {  	[dreg:$0x2] =	wrdreg s24  }
0xaf: {  	[dreg:$0x3] =	wrdreg $0xAA00  }
0xb0: {  	[dreg:$0x4] =	wrdreg $0x9  }
0xb1: {  	_ =	task.clear_ibuf [dreg:s6], $0x5FFFF;
	_ =	strace $0x9000004C  }
0xb2: {  	s29 =	simm.s32 $0x9;
	_ =	strace $0x8000004E  }
0xb3: {  	_ =	swait.ge [sflag:s29], $0x1  }
0xb4: {  	[sflag:s29] =	ssyncadd.s32 $0xFFFFFFFF  }
0xb5: {  	_ =	strace $0x9000004E  }
0xb6: {  	_ =	sfence  }
0xb7: {  	s30 =	sld [smem:$0x0];
	_ =	sdelay $0x2  }
0xb8: {  	s31 =	sshll.u32 s1, $0xD;
	s1 =	sshrl.u32 s1, $0x2  }
0xb9: {  	s3 =	sand.u32 $0x4000, s31;
	s1 =	sadd.s32 s1, s30  }
0xba: {  	s0 =	sor.u32 s3, s0;
	s1 =	sshll.u32 s1, $0x11  }
0xbb: {  	s0 =	sor.u32 s1, s0  }
0xbc: {  	s0 =	sadd.s32 $0x8F2B, s0  }
0xbd: {  	[sflag:s0] =	ssyncadd.remote.s32 $0x1  }
0xbe: {  	_ =	sfence.sel $0xFFFF  }
0xbf: {  	[dreg:$0x0] =	wrdreg $0xFFFFFFFF;
	(pc) =	sbr.abs _section_cstart, $3  }
0xc0: {  	[dreg:$0x1] =	wrdreg $0xFFFFFFFF  }
0xc1: {  	_ =	task.clear_ibuf [dreg:s6], $0x2FFFF;
	_ =	strace $0x9FFFFFFF  }
0xc2: {  	(tm) =	ssettm $0x7FFFFFFF  }
0xc3: {  	_ =	shalt  }
tec
execute0_lowered:
.L_overlay_start_1:
0x0: {  	(tag) =	ssettag $0x1  }
0x1: {  	s6 =	rddreg [dreg:$0x0]  }
0x2: {  	s0 =	srdreg.scid;
	s2 =	rddreg [dreg:$0x1]  }
0x3: {  	s1 =	stileid.u32;
	s3 =	simm.s32 $0x0;
	s16 =	simm.s32 $0xA0  }
0x4: {  	s17 =	simm.s32 $0x1;
	s18 =	simm.s32 $0x0;
	s5 =	smul.u32 $0x2710, s1  }
0x5: {  	s7 =	sand.u32 $0x1, s0;
	s0 =	rddreg [dreg:$0x2];
	s8 =	smul.u32 $0x9C0, s1  }
0x6: {  	[smem:$0x7FF] =	sst s3;
	s9 =	smul.u32 $0x13800, s1;
	s10 =	sadd.s32 $0x20E00, s6  }
0x7: {  	s29 =	sshll.u32 s1, $0x6;
	s15 =	sadd.s32 $0x4E000, s2;
	s4 =	smul.u32 $0x27100, s7  }
0x8: {  	p0 =	sne.s32 s1, $0xF;
	s28 =	ssub.s32 $0x2, s7;
	s12 =	smul.u32 $0x9C40, s7  }
0x9: {  	_ =	strace $0x8000004D;
	s7 =	smul.u32 $0x4E200, s7;
	s13 =	sshrl.u32 s28, $0x1  }
0xa: {  	s9 =	sshrl.u32 s9, $0x2;
	s5 =	sadd.s32 s5, s4;
	s4 =	sadd.s32 $0x16600, s6  }
0xb: {  	s13 =	ssub.s32 s28, s13;
	s14 =	sadd.s32 s9, s2;
	s8 =	sadd.s32 s8, s12  }
0xc: {  	s30 =	sshrl.u32 s7, $0x3;
	s5 =	sshrl.u32 s5, $0x3;
	s7 =	sadd.s32 s10, s8  }
0xd: {  	s31 =	sadd.s32 s10, s30;
	s9 =	smax.u32 s13, $0x1;
	s12 =	sshrl.u32 s14, $0x3  }
0xe: {  	s13 =	simm.s32 $0x2;
	s14 =	sshrl.u32 @!p0 s15, $0x3;
	s15 =	simm.s32 $0x50  }
0xf: {  	s11 =	sadd.s32 s5, s6;
	s5 =	sadd.s32 $0x20400, s6;
	s6 =	sor.u32 $0x1C02, s29  }
0x10: {  	s8 =	sadd.s32 $0x9C00, s31;
	s10 =	sadd.s32 $0x2A00, s11;
	s11 =	sadd.s32 $0xC800, s11  }
.LBB2_1:
0x11: {  	[spmem:s12], [sflag:s6] =	dma.local [hbm:s5], $0x9C0  }
0x12: {  	_ =	swait.ge [sflag:s13], $0x9C0  }
0x13: {  	[sflag:s13] =	ssyncset.done $0x0  }
0x14: {  	s19 =	simm.s32 @!p0 $0x2;
	[sflag:s13] =	ssyncadd.s32 $0xFFFFF640  }
0x15: {  	[spmem:s14], [sflag:s6] =	dma.local @!p0 [hbm:s5], $0x40  }
0x16: {  	_ =	swait.ge @!p0 [sflag:s19], $0x40  }
0x17: {  	[sflag:s19] =	ssyncset.done @!p0 $0x0  }
0x18: {  	[sflag:s19] =	ssyncadd.s32 @!p0 $0xFFFFFFC0  }
0x19: {  	s30 =	sadd.s32 $0x0, s11;
	[bflag:$0x0] =	sbarrier.arrive $0xFFFF  }
0x1a: {  	[tilespmem:s3], [sflag:$0x2] =	stream.linear.gather [hbm4b:s30+s3], $0x50, $0x38;
	[tilespmem:$0x58C0] =	vst v63  }
0x1b: {  	_ =	swait.ge [sflag:s13], $0x50  }
0x1c: {  	[sflag:s13] =	ssyncset.done $0x0  }
0x1d: {  	s31 =	sadd.s32 $0x0, s10;
	[sflag:s13] =	ssyncadd.s32 $0xFFFFFFB0  }
0x1e: {  	[tilespmem:s15], [sflag:$0x2] =	stream.linear.gather [hbm4b:s31+s3], $0x50, $0x38;
	[tilespmem:$0x58C0] =	vst v63  }
0x1f: {  	_ =	swait.ge [sflag:s13], $0x50  }
0x20: {  	[sflag:s13] =	ssyncset.done $0x0  }
0x21: {  	[sflag:s13] =	ssyncadd.s32 $0xFFFFFFB0  }
0x22: {  	[tilespmem:s16], [sflag:$0x1] =	stream.indirect.gather [hbm4b:s4+s15], $0x20, s3, s15, $0xb8;
	[tilespmem:$0x58C0] =	vst v63  }
0x23: {  	_ =	swait.ge [sflag:s17], $0xA00  }
0x24: {  	[sflag:s17] =	ssyncset.done $0x0  }
0x25: {  	[sflag:s17] =	ssyncadd.s32 $0xFFFFF600  }
0x26: {  	[spmem:s2] =	stream.indirect.scatter.add.f32 [tilespmem:s16], [sflag:$0x2], $0x20, s15, s15, $0xb8;
	[tilespmem:$0x58C0] =	vst v63  }
0x27: {  	_ =	swait.ge [sflag:s13], $0xA00  }
0x28: {  	s20 =	simm.s32 $0x14;
	s19 =	simm.s32 $0xA;
	[sflag:s13] =	ssyncset.done $0x0  }
.LBB2_2:
0x29: {  	s21 =	sadd.s32 s19, s11  }
0x2a: {  	[sflag:s13] =	ssyncadd.s32 $0xFFFFF600;
	s22 =	smov.u32 s20;
	s23 =	sadd.s32 $0xA, s20  }
0x2b: {  	[tilespmem:s3], [sflag:$0x2] =	stream.linear.gather [hbm4b:s21+s3], $0x50, $0x38;
	[tilespmem:$0x58C0] =	vst v63  }
0x2c: {  	p1 =	sne.s32 s20, $0x4D8;
	_ =	swait.ge [sflag:s13], $0x50  }
0x2d: {  	[sflag:s13] =	ssyncset.done $0x0  }
0x2e: {  	s20 =	sadd.s32 s19, s10;
	s19 =	smov.u32 s22;
	[sflag:s13] =	ssyncadd.s32 $0xFFFFFFB0  }
0x2f: {  	[tilespmem:s15], [sflag:$0x2] =	stream.linear.gather [hbm4b:s20+s3], $0x50, $0x38;
	[tilespmem:$0x58C0] =	vst v63  }
0x30: {  	_ =	swait.ge [sflag:s13], $0x50  }
0x31: {  	[sflag:s13] =	ssyncset.done $0x0  }
0x32: {  	[sflag:s13] =	ssyncadd.s32 $0xFFFFFFB0  }
0x33: {  	[tilespmem:s16], [sflag:$0x1] =	stream.indirect.gather [hbm4b:s4+s15], $0x20, s3, s15, $0xb8;
	[tilespmem:$0x58C0] =	vst v63  }
0x34: {  	_ =	swait.ge [sflag:s17], $0xA00  }
.Ltmp0:
0x35: {  	[sflag:s17] =	ssyncset.done $0x0;
	(pc) =	sbr.rel @p1 .LBB2_2-.Ltmp0, $4  }
0x36: {  	[sflag:s17] =	ssyncadd.s32 $0xFFFFF600  }
0x37: {  	[spmem:s2] =	stream.indirect.scatter.add.f32 [tilespmem:s16], [sflag:$0x2], $0x20, s15, s15, $0xb8;
	[tilespmem:$0x58C0] =	vst v63  }
0x38: {  	_ =	swait.ge [sflag:s13], $0xA00  }
0x39: {  	s20 =	smov.u32 s23;
	[sflag:s13] =	ssyncset.done $0x0  }
0x3a: {  	s20 =	sadd.s32 s19, s11;
	[sflag:s13] =	ssyncadd.s32 $0xFFFFF600  }
0x3b: {  	[tilespmem:s3], [sflag:$0x2] =	stream.linear.gather [hbm4b:s20+s3], $0x50, $0x38;
	[tilespmem:$0x58C0] =	vst v63  }
0x3c: {  	_ =	swait.ge [sflag:s13], $0x50  }
0x3d: {  	[sflag:s13] =	ssyncset.done $0x0  }
0x3e: {  	s31 =	sadd.s32 s19, s10;
	[sflag:s13] =	ssyncadd.s32 $0xFFFFFFB0  }
0x3f: {  	[tilespmem:s15], [sflag:$0x2] =	stream.linear.gather [hbm4b:s31+s3], $0x50, $0x38;
	[tilespmem:$0x58C0] =	vst v63  }
0x40: {  	_ =	swait.ge [sflag:s13], $0x50  }
0x41: {  	[sflag:s13] =	ssyncset.done $0x0  }
0x42: {  	[sflag:s13] =	ssyncadd.s32 $0xFFFFFFB0  }
0x43: {  	[tilespmem:s16], [sflag:$0x1] =	stream.indirect.gather [hbm4b:s4+s15], $0x20, s3, s15, $0xb8;
	[tilespmem:$0x58C0] =	vst v63  }
0x44: {  	_ =	swait.ge [sflag:s17], $0xA00  }
0x45: {  	[sflag:s17] =	ssyncset.done $0x0  }
0x46: {  	[sflag:s17] =	ssyncadd.s32 $0xFFFFF600  }
0x47: {  	[spmem:s2] =	stream.indirect.scatter.add.f32 [tilespmem:s16], [sflag:$0x2], $0x20, s15, s15, $0xb8;
	[tilespmem:$0x58C0] =	vst v63  }
0x48: {  	_ =	swait.ge [sflag:s13], $0xA00  }
0x49: {  	[sflag:s13] =	ssyncset.done $0x0  }
0x4a: {  	[sflag:s13] =	ssyncadd.s32 $0xFFFFF600  }
0x4b: {  	[bflag:$0x0] =	sbarrier.arrive $0xFFFF  }
0x4c: {  	[hbm:s7], [sflag:s6] =	dma.local [spmem:s12], $0x9C0  }
0x4d: {  	s18 =	sadd.s32 $0x1, s18;
	_ =	swait.ge [sflag:s13], $0x9C0  }
0x4e: {  	p1 =	sne.s32 s18, s9;
	[sflag:s13] =	ssyncset.done $0x0  }
.Ltmp1:
0x4f: {  	s19 =	simm.s32 @!p0 $0x2;
	[sflag:s13] =	ssyncadd.s32 $0xFFFFF640;
	(pc) =	sbr.rel @p1 .LBB2_1-.Ltmp1, $4  }
0x50: {  	[hbm:s8], [sflag:s6] =	dma.local @!p0 [spmem:s14], $0x40  }
0x51: {  	_ =	swait.ge @!p0 [sflag:s19], $0x40  }
0x52: {  	[sflag:s19] =	ssyncset.done @!p0 $0x0  }
0x53: {  	[sflag:s19] =	ssyncadd.s32 @!p0 $0xFFFFFFC0  }
0x54: {  	_ =	sfence.sel $0x180000  }
0x55: {  	[bflag:$0x0] =	sbarrier.arrive $0xFFFF  }
0x56: {  	p0 =	sne.s32 s1, $0x0;
	_ =	strace $0x9000004D  }
0x57: {  	s0 =	sadd.s32 @!p0 $0x100000, s0;
	[bflag:$0x2] =	sbarrier.arrive $0xFFFF  }
0x58: {  	[sflag:s0] =	ssyncadd.tile.s32 @!p0 $0x1;
	_ =	shalt  }
.Lfunc_end2:
_tile_overlayer_lowered:
.L_overlay_start_2:
0x59: {  	(tag) =	ssettag $0x2  }
0x5a: {  	s0 =	rddreg [dreg:$0x0];
	s2 =	stileid.u32  }
0x5b: {  	s1 =	rddreg [dreg:$0x1];
	p0 =	sne.s32 s2, $0x0  }
0x5c: {  	s3 =	rddreg [dreg:$0x2];
	[bflag:$0x3] =	sbarrier.arrive $0xFFFF;
	s2 =	simm.s32 @!p0 $0x1C02  }
0x5d: {  	[timem:s3], [sflag:s2] =	dma.local @!p0 [hbm:s0], s1  }
0x5e: {  	s0 =	simm.s32 @!p0 $0x2  }
0x5f: {  	_ =	swait.ge @!p0 [sflag:s0], s1  }
0x60: {  	s1 =	ssub.s32 @!p0 $0x0, s1;
	[sflag:s0] =	ssyncset.done @!p0 $0x0  }
0x61: {  	[sflag:s0] =	ssyncadd.s32 @!p0 s1  }
0x62: {  	[bflag:$0x3] =	sbarrier.arrive $0xFFFF  }
0x63: {  	_ =	shalt  }

</sc_bundles>
